<compile_context>
chip_gen: v7x
topology: tpu7x:2x2x1
jax: 0.10.2.dev20260603
libtpu: 0.0.44.dev20260713+nightly
codegen_flags: <defaults>
</compile_context>

<pallas_src>
import functools

import jax
import jax.numpy as jnp
from jax import lax
from jax.experimental import pallas as pl
from jax.experimental.pallas import tpu as pltpu
from jax.experimental.pallas import tpu_sc as plsc

N = 10000
NP = 10240
E = 320000
D = 128
DH = 256
NC = 2
NS = 16
NW = NC * NS
EPW = E // NW
CH = 80
NG = 5
NIS = 25
NI = NG * NIS
RPT = NP // NS


def _sc_aggregate(x, src4, dst4, zrows, orows):
    mesh = plsc.VectorSubcoreMesh(core_axis_name="c", subcore_axis_name="s")

    @functools.partial(
        pl.kernel,
        out_type=[
            jax.ShapeDtypeStruct((NC * NP, D), jnp.float32),
            jax.ShapeDtypeStruct((NC * NP, D), jnp.float32),
        ],
        mesh=mesh,
        scratch_types=[
            pltpu.VMEM((NIS, CH), jnp.int32),
            pltpu.VMEM((NIS, CH), jnp.int32),
            pltpu.VMEM((CH, D), jnp.float32),
            pltpu.VMEM((CH, D), jnp.float32),
            pltpu.VMEM_SHARED((NP, D), jnp.float32),
            pltpu.SemaphoreType.DMA,
            pltpu.SemaphoreType.DMA,
        ],
    )
    def k(x_hbm, src_hbm, dst_hbm, zr_hbm, on_hbm, agg_out, deg_out,
          src_v, dst_v, rows0, rows1, acc_sh, sem0, sem1):
        c = lax.axis_index("c")
        s = lax.axis_index("s")
        wid = c * NS + s
        tb = s * RPT

        pltpu.sync_copy(zr_hbm.at[pl.ds(tb, RPT)], acc_sh.at[pl.ds(tb, RPT)])
        plsc.subcore_barrier()

        def outer_a(g, carry):
            pltpu.sync_copy(src_hbm.at[wid, g], src_v)
            pltpu.sync_copy(dst_hbm.at[wid, g], dst_v)

            def body(j, c2):
                h0 = pltpu.async_copy(
                    x_hbm.at[src_v.at[2 * j]], rows0, sem0)
                h1 = pltpu.async_copy(
                    x_hbm.at[src_v.at[2 * j + 1]], rows1, sem1)
                h0.wait()
                pltpu.sync_copy(rows0, acc_sh.at[dst_v.at[2 * j]], add=True)
                h1.wait()
                pltpu.sync_copy(
                    rows1, acc_sh.at[dst_v.at[2 * j + 1]], add=True)
                return c2

            lax.fori_loop(0, NIS // 2, body, 0)
            pltpu.async_copy(
                x_hbm.at[src_v.at[NIS - 1]], rows0, sem0).wait()
            pltpu.sync_copy(rows0, acc_sh.at[dst_v.at[NIS - 1]], add=True)
            return carry

        lax.fori_loop(0, NG, outer_a, 0)

        plsc.subcore_barrier()
        pltpu.sync_copy(acc_sh.at[pl.ds(tb, RPT)],
                        agg_out.at[pl.ds(c * NP + tb, RPT)])
        plsc.subcore_barrier()

        pltpu.sync_copy(zr_hbm.at[pl.ds(tb, RPT)], acc_sh.at[pl.ds(tb, RPT)])
        pltpu.sync_copy(on_hbm, rows0)
        plsc.subcore_barrier()

        def outer_b(g, carry):
            pltpu.sync_copy(dst_hbm.at[wid, g], dst_v)

            def body(j, c2):
                h0 = pltpu.async_copy(
                    rows0, acc_sh.at[dst_v.at[2 * j]], sem0, add=True)
                h1 = pltpu.async_copy(
                    rows0, acc_sh.at[dst_v.at[2 * j + 1]], sem1, add=True)
                h0.wait()
                h1.wait()
                return c2

            lax.fori_loop(0, NIS // 2, body, 0)
            pltpu.sync_copy(rows0, acc_sh.at[dst_v.at[NIS - 1]], add=True)
            return carry

        lax.fori_loop(0, NG, outer_b, 0)

        plsc.subcore_barrier()
        pltpu.sync_copy(acc_sh.at[pl.ds(tb, RPT)],
                        deg_out.at[pl.ds(c * NP + tb, RPT)])

    return k(x, src4, dst4, zrows, orows)


def _tc_combine(aggp, degp, x, w_cat, b):
    R = 1024
    grid = (NP // R,)

    def body(aggp_ref, degp_ref, x_ref, w_ref, b_ref, o_ref):
        a = aggp_ref[0] + aggp_ref[1]
        d = degp_ref[0][:, 0:1] + degp_ref[1][:, 0:1]
        mean = a / jnp.maximum(d, 1.0)
        cat = jnp.concatenate([mean, x_ref[...]], axis=1)
        o_ref[...] = (
            jnp.dot(cat, w_ref[...], preferred_element_type=jnp.float32)
            + b_ref[...]
        )

    return pl.pallas_call(
        body,
        grid=grid,
        in_specs=[
            pl.BlockSpec((2, R, D), lambda i: (0, i, 0)),
            pl.BlockSpec((2, R, D), lambda i: (0, i, 0)),
            pl.BlockSpec((R, D), lambda i: (i, 0)),
            pl.BlockSpec((2 * D, DH), lambda i: (0, 0)),
            pl.BlockSpec((1, DH), lambda i: (0, 0)),
        ],
        out_specs=pl.BlockSpec((R, DH), lambda i: (i, 0)),
        out_shape=jax.ShapeDtypeStruct((NP, DH), jnp.float32),
    )(aggp, degp, x, w_cat, b)


def kernel(x, msg_pass_edge_index, W_l, b_l, W_r):
    src4 = msg_pass_edge_index[0].reshape(NW, NG, NIS, CH)
    dst4 = msg_pass_edge_index[1].reshape(NW, NG, NIS, CH)
    zrows = jnp.zeros((NP, D), jnp.float32)
    orows = jnp.ones((CH, D), jnp.float32)
    x_pad = jnp.pad(x, ((0, NP - N), (0, 0)))
    aggp, degp = _sc_aggregate(x_pad, src4, dst4, zrows, orows)
    w_cat = jnp.concatenate([W_l.T, W_r.T], axis=0)
    b = b_l.reshape(1, DH)
    out = _tc_combine(
        aggp.reshape(NC, NP, D), degp.reshape(NC, NP, D), x_pad, w_cat, b
    )
    return out[:N]

# --- scband reference (transcript-rebuilt; emitter-appended) ---
"""Pipeline reference for scband-gnn-model-11235634446799 (READ-ONLY COPY).

The authoritative reference and input builder live on the scoring server;
editing this copy changes nothing except your own understanding.
"""

import jax, jax.numpy as jnp
import numpy as np

N = 10000
E = 320000
D_IN = 128
D_H = 256


def setup_inputs(seed: int = 0) -> dict:
    key = jax.random.key(seed)
    k1, k2, k3, k4, k5 = jax.random.split(key, 5)
    x = jax.random.normal(k1, (N, D_IN), dtype=jnp.float32)
    msg_pass_edge_index = jax.random.randint(k2, (2, E), 0, N, dtype=jnp.int32)
    # SAGEConv parameters (PyG layout): lin_l applied to aggregated neighbors (with bias),
    # lin_r applied to root/self features (no bias).
    W_l = jax.random.normal(k3, (D_H, D_IN), dtype=jnp.float32) * 0.05
    b_l = jax.random.normal(k4, (D_H,), dtype=jnp.float32) * 0.05
    W_r = jax.random.normal(k5, (D_H, D_IN), dtype=jnp.float32) * 0.05
    return {"x": x, "msg_pass_edge_index": msg_pass_edge_index, "W_l": W_l, "b_l": b_l, "W_r": W_r}


def reference(x, msg_pass_edge_index, W_l, b_l, W_r):
    # GNN_model forward with n_conv_layers=1, conv_type='SAGEConv' (normalize=False):
    # the Python-level loop returns after the first conv layer; dropout is identity in eval;
    # since i == n_conv_layers - 1, no activation is applied.
    src = msg_pass_edge_index[0]
    dst = msg_pass_edge_index[1]
    msgs = jnp.take(x, src, axis=0)                       # gather source features [E, D_IN]
    agg = jax.ops.segment_sum(msgs, dst, num_segments=N)  # scatter-add by destination
    deg = jax.ops.segment_sum(jnp.ones((E,), dtype=x.dtype), dst, num_segments=N)
    mean_agg = agg / jnp.clip(deg, 1.0)[:, None]          # mean aggregation
    out = mean_agg @ W_l.T + b_l + x @ W_r.T              # lin_l(agg) + lin_r(x)
    return out

if __name__ == "__main__":
    import jax
    _d = setup_inputs()
    print(jax.jit(kernel)(*tuple(_d.values())))

</pallas_src>

<mosaic_0001>
#map = affine_map<(d0, d1) -> (0, 0)>
#map1 = affine_map<(d0, d1) -> (0, 0, 0, 0)>
module attributes {stable_mosaic.version = 14 : i64} {
  func.func @k(%arg0: i32, %arg1: i32, %arg2: memref<10240x128xf32, #tpu.memory_space<hbm>>, %arg3: memref<32x5x25x80xi32, #tpu.memory_space<hbm>>, %arg4: memref<32x5x25x80xi32, #tpu.memory_space<hbm>>, %arg5: memref<10240x128xf32, #tpu.memory_space<hbm>>, %arg6: memref<80x128xf32, #tpu.memory_space<hbm>>, %arg7: memref<20480x128xf32, #tpu.memory_space<hbm>>, %arg8: memref<20480x128xf32, #tpu.memory_space<hbm>>, %arg9: memref<25x80xi32, #tpu.memory_space<vmem>>, %arg10: memref<25x80xi32, #tpu.memory_space<vmem>>, %arg11: memref<80x128xf32, #tpu.memory_space<vmem>>, %arg12: memref<80x128xf32, #tpu.memory_space<vmem>>, %arg13: memref<10240x128xf32, #tpu.memory_space<vmem_shared>>, %arg14: memref<!tpu.dma_semaphore, #tpu.memory_space<semaphore_mem>>, %arg15: memref<!tpu.dma_semaphore, #tpu.memory_space<semaphore_mem>>) attributes {dimension_semantics = [#tpu.dimension_semantics<core_parallel>, #tpu.dimension_semantics<subcore_parallel>], iteration_bounds = array<i64: 2, 16>, scalar_prefetch = 0 : i64, scratch_operands = 7 : i64, tpu.core_type = #tpu.core_type<sc_vector_subcore>, window_params = [{transform_indices = #map}, {transform_indices = #map1}, {transform_indices = #map1}, {transform_indices = #map}, {transform_indices = #map}, {transform_indices = #map}, {transform_indices = #map}]} {
    %mul3A = arith.constant 16 : i32
    %mul3A_0 = arith.muli %arg0, %mul3A : i32
    %add3A = arith.addi %mul3A_0, %arg1 : i32
    %mul3A_1 = arith.constant 640 : i32
    %mul3A_2 = arith.muli %arg1, %mul3A_1 : i32
    "tpu.region"() ({
      %run_scoped3A = tpu.sem_alloc : memref<!tpu.dma_semaphore, #tpu.memory_space<semaphore_mem>>
      %dma_start3A = arith.constant 0 : i32
      %dma_start3A_24 = tpu.memref_slice %arg13[%mul3A_2, %dma_start3A] : memref<10240x128xf32, #tpu.memory_space<vmem_shared>> -> memref<640x128xf32, #tpu.memory_space<vmem_shared>>
      %dma_start3A_25 = arith.constant 0 : i32
      %dma_start3A_26 = tpu.memref_slice %arg5[%mul3A_2, %dma_start3A_25] : memref<10240x128xf32, #tpu.memory_space<hbm>> -> memref<640x128xf32, #tpu.memory_space<hbm>>
      tpu.enqueue_dma source(%dma_start3A_26 : memref<640x128xf32, #tpu.memory_space<hbm>>) target(%dma_start3A_24 : memref<640x128xf32, #tpu.memory_space<vmem_shared>>) target_semaphore(%run_scoped3A : memref<!tpu.dma_semaphore, #tpu.memory_space<semaphore_mem>>)
      %dma_wait3A = arith.constant 0 : i32
      %dma_wait3A_27 = tpu.memref_slice %arg13[%mul3A_2, %dma_wait3A] : memref<10240x128xf32, #tpu.memory_space<vmem_shared>> -> memref<640x128xf32, #tpu.memory_space<vmem_shared>>
      %dma_wait3A_28 = arith.constant 0 : i32
      %dma_wait3A_29 = tpu.memref_slice %arg5[%mul3A_2, %dma_wait3A_28] : memref<10240x128xf32, #tpu.memory_space<hbm>> -> memref<640x128xf32, #tpu.memory_space<hbm>>
      tpu.wait_dma2 semaphore(%run_scoped3A : memref<!tpu.dma_semaphore, #tpu.memory_space<semaphore_mem>>) src(%dma_wait3A_29 : memref<640x128xf32, #tpu.memory_space<hbm>>) dst(%dma_wait3A_27 : memref<640x128xf32, #tpu.memory_space<vmem_shared>>)
      tpu.yield
    }) : () -> ()
    %barrier3A = arith.constant 0 : index
    tpu.barrier barrier_id(%barrier3A)
    %scan3A = arith.constant 0 : i32
    %scan3A_3 = arith.constant 0 : i32
    %scan3A_4 = arith.constant 5 : i32
    %scan3A_5 = arith.addi %scan3A_3, %scan3A_4 : i32
    %scan3A_6 = arith.constant 1 : i32
    scf.for %scan3A_24 = %scan3A_3 to %scan3A_5 step %scan3A_6  : i32 {
      "tpu.region"() ({
        %run_scoped3A_43 = tpu.sem_alloc : memref<!tpu.dma_semaphore, #tpu.memory_space<semaphore_mem>>
        %dma_start3A_44 = arith.constant 0 : i32
        %dma_start3A_45 = arith.constant 0 : i32
        %dma_start3A_46 = tpu.memref_slice %arg3[%add3A, %scan3A_24, %dma_start3A_44, %dma_start3A_45] : memref<32x5x25x80xi32, #tpu.memory_space<hbm>> -> memref<1x1x25x80xi32, #tpu.memory_space<hbm>>
        %dma_start3A_47 = tpu.memref_squeeze %dma_start3A_46 : memref<1x1x25x80xi32, #tpu.memory_space<hbm>> -> memref<25x80xi32, #tpu.memory_space<hbm>>
        %dma_start3A_48 = arith.constant 0 : i32
        %dma_start3A_49 = arith.constant 0 : i32
        %dma_start3A_50 = tpu.memref_slice %arg3[%add3A, %scan3A_24, %dma_start3A_48, %dma_start3A_49] : memref<32x5x25x80xi32, #tpu.memory_space<hbm>> -> memref<1x1x25x80xi32, #tpu.memory_space<hbm>>
        %dma_start3A_51 = tpu.memref_squeeze %dma_start3A_50 : memref<1x1x25x80xi32, #tpu.memory_space<hbm>> -> memref<25x80xi32, #tpu.memory_space<hbm>>
        tpu.enqueue_dma source(%dma_start3A_51 : memref<25x80xi32, #tpu.memory_space<hbm>>) target(%arg9 : memref<25x80xi32, #tpu.memory_space<vmem>>) target_semaphore(%run_scoped3A_43 : memref<!tpu.dma_semaphore, #tpu.memory_space<semaphore_mem>>)
        %dma_wait3A_52 = arith.constant 0 : i32
        %dma_wait3A_53 = arith.constant 0 : i32
        %dma_wait3A_54 = tpu.memref_slice %arg3[%add3A, %scan3A_24, %dma_wait3A_52, %dma_wait3A_53] : memref<32x5x25x80xi32, #tpu.memory_space<hbm>> -> memref<1x1x25x80xi32, #tpu.memory_space<hbm>>
        %dma_wait3A_55 = tpu.memref_squeeze %dma_wait3A_54 : memref<1x1x25x80xi32, #tpu.memory_space<hbm>> -> memref<25x80xi32, #tpu.memory_space<hbm>>
        %dma_wait3A_56 = arith.constant 0 : i32
        %dma_wait3A_57 = arith.constant 0 : i32
        %dma_wait3A_58 = tpu.memref_slice %arg3[%add3A, %scan3A_24, %dma_wait3A_56, %dma_wait3A_57] : memref<32x5x25x80xi32, #tpu.memory_space<hbm>> -> memref<1x1x25x80xi32, #tpu.memory_space<hbm>>
        %dma_wait3A_59 = tpu.memref_squeeze %dma_wait3A_58 : memref<1x1x25x80xi32, #tpu.memory_space<hbm>> -> memref<25x80xi32, #tpu.memory_space<hbm>>
        tpu.wait_dma2 semaphore(%run_scoped3A_43 : memref<!tpu.dma_semaphore, #tpu.memory_space<semaphore_mem>>) src(%dma_wait3A_59 : memref<25x80xi32, #tpu.memory_space<hbm>>) dst(%arg9 : memref<25x80xi32, #tpu.memory_space<vmem>>)
        tpu.yield
      }) : () -> ()
      "tpu.region"() ({
        %run_scoped3A_43 = tpu.sem_alloc : memref<!tpu.dma_semaphore, #tpu.memory_space<semaphore_mem>>
        %dma_start3A_44 = arith.constant 0 : i32
        %dma_start3A_45 = arith.constant 0 : i32
        %dma_start3A_46 = tpu.memref_slice %arg4[%add3A, %scan3A_24, %dma_start3A_44, %dma_start3A_45] : memref<32x5x25x80xi32, #tpu.memory_space<hbm>> -> memref<1x1x25x80xi32, #tpu.memory_space<hbm>>
        %dma_start3A_47 = tpu.memref_squeeze %dma_start3A_46 : memref<1x1x25x80xi32, #tpu.memory_space<hbm>> -> memref<25x80xi32, #tpu.memory_space<hbm>>
        %dma_start3A_48 = arith.constant 0 : i32
        %dma_start3A_49 = arith.constant 0 : i32
        %dma_start3A_50 = tpu.memref_slice %arg4[%add3A, %scan3A_24, %dma_start3A_48, %dma_start3A_49] : memref<32x5x25x80xi32, #tpu.memory_space<hbm>> -> memref<1x1x25x80xi32, #tpu.memory_space<hbm>>
        %dma_start3A_51 = tpu.memref_squeeze %dma_start3A_50 : memref<1x1x25x80xi32, #tpu.memory_space<hbm>> -> memref<25x80xi32, #tpu.memory_space<hbm>>
        tpu.enqueue_dma source(%dma_start3A_51 : memref<25x80xi32, #tpu.memory_space<hbm>>) target(%arg10 : memref<25x80xi32, #tpu.memory_space<vmem>>) target_semaphore(%run_scoped3A_43 : memref<!tpu.dma_semaphore, #tpu.memory_space<semaphore_mem>>)
        %dma_wait3A_52 = arith.constant 0 : i32
        %dma_wait3A_53 = arith.constant 0 : i32
        %dma_wait3A_54 = tpu.memref_slice %arg4[%add3A, %scan3A_24, %dma_wait3A_52, %dma_wait3A_53] : memref<32x5x25x80xi32, #tpu.memory_space<hbm>> -> memref<1x1x25x80xi32, #tpu.memory_space<hbm>>
        %dma_wait3A_55 = tpu.memref_squeeze %dma_wait3A_54 : memref<1x1x25x80xi32, #tpu.memory_space<hbm>> -> memref<25x80xi32, #tpu.memory_space<hbm>>
        %dma_wait3A_56 = arith.constant 0 : i32
        %dma_wait3A_57 = arith.constant 0 : i32
        %dma_wait3A_58 = tpu.memref_slice %arg4[%add3A, %scan3A_24, %dma_wait3A_56, %dma_wait3A_57] : memref<32x5x25x80xi32, #tpu.memory_space<hbm>> -> memref<1x1x25x80xi32, #tpu.memory_space<hbm>>
        %dma_wait3A_59 = tpu.memref_squeeze %dma_wait3A_58 : memref<1x1x25x80xi32, #tpu.memory_space<hbm>> -> memref<25x80xi32, #tpu.memory_space<hbm>>
        tpu.wait_dma2 semaphore(%run_scoped3A_43 : memref<!tpu.dma_semaphore, #tpu.memory_space<semaphore_mem>>) src(%dma_wait3A_59 : memref<25x80xi32, #tpu.memory_space<hbm>>) dst(%arg10 : memref<25x80xi32, #tpu.memory_space<vmem>>)
        tpu.yield
      }) : () -> ()
      %scan3A_25 = arith.constant 0 : i32
      %scan3A_26 = arith.constant 0 : i32
      %scan3A_27 = arith.constant 12 : i32
      %scan3A_28 = arith.addi %scan3A_26, %scan3A_27 : i32
      %scan3A_29 = arith.constant 1 : i32
      scf.for %scan3A_43 = %scan3A_26 to %scan3A_28 step %scan3A_29  : i32 {
        %mul3A_44 = arith.constant 2 : i32
        %mul3A_45 = arith.muli %mul3A_44, %scan3A_43 : i32
        %dma_start3A_46 = arith.constant 0 : i32
        %dma_start3A_47 = tpu.memref_slice %arg9[%mul3A_45, %dma_start3A_46] : memref<25x80xi32, #tpu.memory_space<vmem>> -> memref<1x80xi32, #tpu.memory_space<vmem>>
        %dma_start3A_48 = tpu.memref_squeeze %dma_start3A_47 : memref<1x80xi32, #tpu.memory_space<vmem>> -> memref<80xi32, #tpu.memory_space<vmem>>
        %dma_start3A_49 = arith.constant 0 : i32
        %dma_start3A_50 = arith.constant 0 : i32
        %dma_start3A_51 = tpu.memref_slice %arg2[%dma_start3A_49, %dma_start3A_50] : memref<10240x128xf32, #tpu.memory_space<hbm>> -> memref<10240x128xf32, #tpu.memory_space<hbm>>
        tpu.enqueue_indirect_dma source(%dma_start3A_51 : memref<10240x128xf32, #tpu.memory_space<hbm>>) target(%arg11 : memref<80x128xf32, #tpu.memory_space<vmem>>) offsets(%dma_start3A_48 : memref<80xi32, #tpu.memory_space<vmem>>) semaphore(%arg14 : memref<!tpu.dma_semaphore, #tpu.memory_space<semaphore_mem>>)
        %mul3A_52 = arith.constant 2 : i32
        %mul3A_53 = arith.muli %mul3A_52, %scan3A_43 : i32
        %add3A_54 = arith.constant 1 : i32
        %add3A_55 = arith.addi %mul3A_53, %add3A_54 : i32
        %dma_start3A_56 = arith.constant 0 : i32
        %dma_start3A_57 = tpu.memref_slice %arg9[%add3A_55, %dma_start3A_56] : memref<25x80xi32, #tpu.memory_space<vmem>> -> memref<1x80xi32, #tpu.memory_space<vmem>>
        %dma_start3A_58 = tpu.memref_squeeze %dma_start3A_57 : memref<1x80xi32, #tpu.memory_space<vmem>> -> memref<80xi32, #tpu.memory_space<vmem>>
        %dma_start3A_59 = arith.constant 0 : i32
        %dma_start3A_60 = arith.constant 0 : i32
        %dma_start3A_61 = tpu.memref_slice %arg2[%dma_start3A_59, %dma_start3A_60] : memref<10240x128xf32, #tpu.memory_space<hbm>> -> memref<10240x128xf32, #tpu.memory_space<hbm>>
        tpu.enqueue_indirect_dma source(%dma_start3A_61 : memref<10240x128xf32, #tpu.memory_space<hbm>>) target(%arg12 : memref<80x128xf32, #tpu.memory_space<vmem>>) offsets(%dma_start3A_58 : memref<80xi32, #tpu.memory_space<vmem>>) semaphore(%arg15 : memref<!tpu.dma_semaphore, #tpu.memory_space<semaphore_mem>>)
        %dma_wait3A_62 = arith.constant 0 : i32
        %dma_wait3A_63 = tpu.memref_slice %arg9[%mul3A_45, %dma_wait3A_62] : memref<25x80xi32, #tpu.memory_space<vmem>> -> memref<1x80xi32, #tpu.memory_space<vmem>>
        %dma_wait3A_64 = tpu.memref_squeeze %dma_wait3A_63 : memref<1x80xi32, #tpu.memory_space<vmem>> -> memref<80xi32, #tpu.memory_space<vmem>>
        %dma_wait3A_65 = arith.constant 0 : i32
        %dma_wait3A_66 = arith.constant 0 : i32
        %dma_wait3A_67 = tpu.memref_slice %arg2[%dma_wait3A_65, %dma_wait3A_66] : memref<10240x128xf32, #tpu.memory_space<hbm>> -> memref<10240x128xf32, #tpu.memory_space<hbm>>
        tpu.wait_indirect_dma semaphore(%arg14 : memref<!tpu.dma_semaphore, #tpu.memory_space<semaphore_mem>>) src(%dma_wait3A_67 : memref<10240x128xf32, #tpu.memory_space<hbm>>) dst(%arg11 : memref<80x128xf32, #tpu.memory_space<vmem>>)
        %mul3A_68 = arith.constant 2 : i32
        %mul3A_69 = arith.muli %mul3A_68, %scan3A_43 : i32
        "tpu.region"() ({
          %run_scoped3A_80 = tpu.sem_alloc : memref<!tpu.dma_semaphore, #tpu.memory_space<semaphore_mem>>
          %dma_start3A_81 = arith.constant 0 : i32
          %dma_start3A_82 = tpu.memref_slice %arg10[%mul3A_69, %dma_start3A_81] : memref<25x80xi32, #tpu.memory_space<vmem>> -> memref<1x80xi32, #tpu.memory_space<vmem>>
          %dma_start3A_83 = tpu.memref_squeeze %dma_start3A_82 : memref<1x80xi32, #tpu.memory_space<vmem>> -> memref<80xi32, #tpu.memory_space<vmem>>
          %dma_start3A_84 = arith.constant 0 : i32
          %dma_start3A_85 = arith.constant 0 : i32
          %dma_start3A_86 = tpu.memref_slice %arg13[%dma_start3A_84, %dma_start3A_85] : memref<10240x128xf32, #tpu.memory_space<vmem_shared>> -> memref<10240x128xf32, #tpu.memory_space<vmem_shared>>
          tpu.enqueue_indirect_dma source(%arg11 : memref<80x128xf32, #tpu.memory_space<vmem>>) target(%dma_start3A_86 : memref<10240x128xf32, #tpu.memory_space<vmem_shared>>) offsets(%dma_start3A_83 : memref<80xi32, #tpu.memory_space<vmem>>) semaphore(%run_scoped3A_80 : memref<!tpu.dma_semaphore, #tpu.memory_space<semaphore_mem>>) {add = true}
          %dma_wait3A_87 = arith.constant 0 : i32
          %dma_wait3A_88 = tpu.memref_slice %arg10[%mul3A_69, %dma_wait3A_87] : memref<25x80xi32, #tpu.memory_space<vmem>> -> memref<1x80xi32, #tpu.memory_space<vmem>>
          %dma_wait3A_89 = tpu.memref_squeeze %dma_wait3A_88 : memref<1x80xi32, #tpu.memory_space<vmem>> -> memref<80xi32, #tpu.memory_space<vmem>>
          %dma_wait3A_90 = arith.constant 0 : i32
          %dma_wait3A_91 = arith.constant 0 : i32
          %dma_wait3A_92 = tpu.memref_slice %arg13[%dma_wait3A_90, %dma_wait3A_91] : memref<10240x128xf32, #tpu.memory_space<vmem_shared>> -> memref<10240x128xf32, #tpu.memory_space<vmem_shared>>
          tpu.wait_indirect_dma semaphore(%run_scoped3A_80 : memref<!tpu.dma_semaphore, #tpu.memory_space<semaphore_mem>>) src(%arg11 : memref<80x128xf32, #tpu.memory_space<vmem>>) dst(%dma_wait3A_92 : memref<10240x128xf32, #tpu.memory_space<vmem_shared>>)
          tpu.yield
        }) : () -> ()
        %dma_wait3A_70 = arith.constant 0 : i32
        %dma_wait3A_71 = tpu.memref_slice %arg9[%add3A_55, %dma_wait3A_70] : memref<25x80xi32, #tpu.memory_space<vmem>> -> memref<1x80xi32, #tpu.memory_space<vmem>>
        %dma_wait3A_72 = tpu.memref_squeeze %dma_wait3A_71 : memref<1x80xi32, #tpu.memory_space<vmem>> -> memref<80xi32, #tpu.memory_space<vmem>>
        %dma_wait3A_73 = arith.constant 0 : i32
        %dma_wait3A_74 = arith.constant 0 : i32
        %dma_wait3A_75 = tpu.memref_slice %arg2[%dma_wait3A_73, %dma_wait3A_74] : memref<10240x128xf32, #tpu.memory_space<hbm>> -> memref<10240x128xf32, #tpu.memory_space<hbm>>
        tpu.wait_indirect_dma semaphore(%arg15 : memref<!tpu.dma_semaphore, #tpu.memory_space<semaphore_mem>>) src(%dma_wait3A_75 : memref<10240x128xf32, #tpu.memory_space<hbm>>) dst(%arg12 : memref<80x128xf32, #tpu.memory_space<vmem>>)
        %mul3A_76 = arith.constant 2 : i32
        %mul3A_77 = arith.muli %mul3A_76, %scan3A_43 : i32
        %add3A_78 = arith.constant 1 : i32
        %add3A_79 = arith.addi %mul3A_77, %add3A_78 : i32
        "tpu.region"() ({
          %run_scoped3A_80 = tpu.sem_alloc : memref<!tpu.dma_semaphore, #tpu.memory_space<semaphore_mem>>
          %dma_start3A_81 = arith.constant 0 : i32
          %dma_start3A_82 = tpu.memref_slice %arg10[%add3A_79, %dma_start3A_81] : memref<25x80xi32, #tpu.memory_space<vmem>> -> memref<1x80xi32, #tpu.memory_space<vmem>>
          %dma_start3A_83 = tpu.memref_squeeze %dma_start3A_82 : memref<1x80xi32, #tpu.memory_space<vmem>> -> memref<80xi32, #tpu.memory_space<vmem>>
          %dma_start3A_84 = arith.constant 0 : i32
          %dma_start3A_85 = arith.constant 0 : i32
          %dma_start3A_86 = tpu.memref_slice %arg13[%dma_start3A_84, %dma_start3A_85] : memref<10240x128xf32, #tpu.memory_space<vmem_shared>> -> memref<10240x128xf32, #tpu.memory_space<vmem_shared>>
          tpu.enqueue_indirect_dma source(%arg12 : memref<80x128xf32, #tpu.memory_space<vmem>>) target(%dma_start3A_86 : memref<10240x128xf32, #tpu.memory_space<vmem_shared>>) offsets(%dma_start3A_83 : memref<80xi32, #tpu.memory_space<vmem>>) semaphore(%run_scoped3A_80 : memref<!tpu.dma_semaphore, #tpu.memory_space<semaphore_mem>>) {add = true}
          %dma_wait3A_87 = arith.constant 0 : i32
          %dma_wait3A_88 = tpu.memref_slice %arg10[%add3A_79, %dma_wait3A_87] : memref<25x80xi32, #tpu.memory_space<vmem>> -> memref<1x80xi32, #tpu.memory_space<vmem>>
          %dma_wait3A_89 = tpu.memref_squeeze %dma_wait3A_88 : memref<1x80xi32, #tpu.memory_space<vmem>> -> memref<80xi32, #tpu.memory_space<vmem>>
          %dma_wait3A_90 = arith.constant 0 : i32
          %dma_wait3A_91 = arith.constant 0 : i32
          %dma_wait3A_92 = tpu.memref_slice %arg13[%dma_wait3A_90, %dma_wait3A_91] : memref<10240x128xf32, #tpu.memory_space<vmem_shared>> -> memref<10240x128xf32, #tpu.memory_space<vmem_shared>>
          tpu.wait_indirect_dma semaphore(%run_scoped3A_80 : memref<!tpu.dma_semaphore, #tpu.memory_space<semaphore_mem>>) src(%arg12 : memref<80x128xf32, #tpu.memory_space<vmem>>) dst(%dma_wait3A_92 : memref<10240x128xf32, #tpu.memory_space<vmem_shared>>)
          tpu.yield
        }) : () -> ()
      }
      %scan3A_30 = arith.constant 12 : i32
      %dma_start3A = arith.constant 24 : i32
      %dma_start3A_31 = arith.constant 0 : i32
      %dma_start3A_32 = tpu.memref_slice %arg9[%dma_start3A, %dma_start3A_31] : memref<25x80xi32, #tpu.memory_space<vmem>> -> memref<1x80xi32, #tpu.memory_space<vmem>>
      %dma_start3A_33 = tpu.memref_squeeze %dma_start3A_32 : memref<1x80xi32, #tpu.memory_space<vmem>> -> memref<80xi32, #tpu.memory_space<vmem>>
      %dma_start3A_34 = arith.constant 0 : i32
      %dma_start3A_35 = arith.constant 0 : i32
      %dma_start3A_36 = tpu.memref_slice %arg2[%dma_start3A_34, %dma_start3A_35] : memref<10240x128xf32, #tpu.memory_space<hbm>> -> memref<10240x128xf32, #tpu.memory_space<hbm>>
      tpu.enqueue_indirect_dma source(%dma_start3A_36 : memref<10240x128xf32, #tpu.memory_space<hbm>>) target(%arg11 : memref<80x128xf32, #tpu.memory_space<vmem>>) offsets(%dma_start3A_33 : memref<80xi32, #tpu.memory_space<vmem>>) semaphore(%arg14 : memref<!tpu.dma_semaphore, #tpu.memory_space<semaphore_mem>>)
      %dma_wait3A = arith.constant 24 : i32
      %dma_wait3A_37 = arith.constant 0 : i32
      %dma_wait3A_38 = tpu.memref_slice %arg9[%dma_wait3A, %dma_wait3A_37] : memref<25x80xi32, #tpu.memory_space<vmem>> -> memref<1x80xi32, #tpu.memory_space<vmem>>
      %dma_wait3A_39 = tpu.memref_squeeze %dma_wait3A_38 : memref<1x80xi32, #tpu.memory_space<vmem>> -> memref<80xi32, #tpu.memory_space<vmem>>
      %dma_wait3A_40 = arith.constant 0 : i32
      %dma_wait3A_41 = arith.constant 0 : i32
      %dma_wait3A_42 = tpu.memref_slice %arg2[%dma_wait3A_40, %dma_wait3A_41] : memref<10240x128xf32, #tpu.memory_space<hbm>> -> memref<10240x128xf32, #tpu.memory_space<hbm>>
      tpu.wait_indirect_dma semaphore(%arg14 : memref<!tpu.dma_semaphore, #tpu.memory_space<semaphore_mem>>) src(%dma_wait3A_42 : memref<10240x128xf32, #tpu.memory_space<hbm>>) dst(%arg11 : memref<80x128xf32, #tpu.memory_space<vmem>>)
      %run_scoped3A = arith.constant 24 : i32
      "tpu.region"() ({
        %run_scoped3A_43 = tpu.sem_alloc : memref<!tpu.dma_semaphore, #tpu.memory_space<semaphore_mem>>
        %dma_start3A_44 = arith.constant 0 : i32
        %dma_start3A_45 = tpu.memref_slice %arg10[%run_scoped3A, %dma_start3A_44] : memref<25x80xi32, #tpu.memory_space<vmem>> -> memref<1x80xi32, #tpu.memory_space<vmem>>
        %dma_start3A_46 = tpu.memref_squeeze %dma_start3A_45 : memref<1x80xi32, #tpu.memory_space<vmem>> -> memref<80xi32, #tpu.memory_space<vmem>>
        %dma_start3A_47 = arith.constant 0 : i32
        %dma_start3A_48 = arith.constant 0 : i32
        %dma_start3A_49 = tpu.memref_slice %arg13[%dma_start3A_47, %dma_start3A_48] : memref<10240x128xf32, #tpu.memory_space<vmem_shared>> -> memref<10240x128xf32, #tpu.memory_space<vmem_shared>>
        tpu.enqueue_indirect_dma source(%arg11 : memref<80x128xf32, #tpu.memory_space<vmem>>) target(%dma_start3A_49 : memref<10240x128xf32, #tpu.memory_space<vmem_shared>>) offsets(%dma_start3A_46 : memref<80xi32, #tpu.memory_space<vmem>>) semaphore(%run_scoped3A_43 : memref<!tpu.dma_semaphore, #tpu.memory_space<semaphore_mem>>) {add = true}
        %dma_wait3A_50 = arith.constant 0 : i32
        %dma_wait3A_51 = tpu.memref_slice %arg10[%run_scoped3A, %dma_wait3A_50] : memref<25x80xi32, #tpu.memory_space<vmem>> -> memref<1x80xi32, #tpu.memory_space<vmem>>
        %dma_wait3A_52 = tpu.memref_squeeze %dma_wait3A_51 : memref<1x80xi32, #tpu.memory_space<vmem>> -> memref<80xi32, #tpu.memory_space<vmem>>
        %dma_wait3A_53 = arith.constant 0 : i32
        %dma_wait3A_54 = arith.constant 0 : i32
        %dma_wait3A_55 = tpu.memref_slice %arg13[%dma_wait3A_53, %dma_wait3A_54] : memref<10240x128xf32, #tpu.memory_space<vmem_shared>> -> memref<10240x128xf32, #tpu.memory_space<vmem_shared>>
        tpu.wait_indirect_dma semaphore(%run_scoped3A_43 : memref<!tpu.dma_semaphore, #tpu.memory_space<semaphore_mem>>) src(%arg11 : memref<80x128xf32, #tpu.memory_space<vmem>>) dst(%dma_wait3A_55 : memref<10240x128xf32, #tpu.memory_space<vmem_shared>>)
        tpu.yield
      }) : () -> ()
    }
    %scan3A_7 = arith.constant 5 : i32
    %barrier3A_8 = arith.constant 0 : index
    tpu.barrier barrier_id(%barrier3A_8)
    %mul3A_9 = arith.constant 10240 : i32
    %mul3A_10 = arith.muli %arg0, %mul3A_9 : i32
    %add3A_11 = arith.addi %mul3A_10, %mul3A_2 : i32
    "tpu.region"() ({
      %run_scoped3A = tpu.sem_alloc : memref<!tpu.dma_semaphore, #tpu.memory_space<semaphore_mem>>
      %dma_start3A = arith.constant 0 : i32
      %dma_start3A_24 = tpu.memref_slice %arg7[%add3A_11, %dma_start3A] : memref<20480x128xf32, #tpu.memory_space<hbm>> -> memref<640x128xf32, #tpu.memory_space<hbm>>
      %dma_start3A_25 = arith.constant 0 : i32
      %dma_start3A_26 = tpu.memref_slice %arg13[%mul3A_2, %dma_start3A_25] : memref<10240x128xf32, #tpu.memory_space<vmem_shared>> -> memref<640x128xf32, #tpu.memory_space<vmem_shared>>
      tpu.enqueue_dma source(%dma_start3A_26 : memref<640x128xf32, #tpu.memory_space<vmem_shared>>) target(%dma_start3A_24 : memref<640x128xf32, #tpu.memory_space<hbm>>) target_semaphore(%run_scoped3A : memref<!tpu.dma_semaphore, #tpu.memory_space<semaphore_mem>>)
      %dma_wait3A = arith.constant 0 : i32
      %dma_wait3A_27 = tpu.memref_slice %arg7[%add3A_11, %dma_wait3A] : memref<20480x128xf32, #tpu.memory_space<hbm>> -> memref<640x128xf32, #tpu.memory_space<hbm>>
      %dma_wait3A_28 = arith.constant 0 : i32
      %dma_wait3A_29 = tpu.memref_slice %arg13[%mul3A_2, %dma_wait3A_28] : memref<10240x128xf32, #tpu.memory_space<vmem_shared>> -> memref<640x128xf32, #tpu.memory_space<vmem_shared>>
      tpu.wait_dma2 semaphore(%run_scoped3A : memref<!tpu.dma_semaphore, #tpu.memory_space<semaphore_mem>>) src(%dma_wait3A_29 : memref<640x128xf32, #tpu.memory_space<vmem_shared>>) dst(%dma_wait3A_27 : memref<640x128xf32, #tpu.memory_space<hbm>>)
      tpu.yield
    }) : () -> ()
    %barrier3A_12 = arith.constant 0 : index
    tpu.barrier barrier_id(%barrier3A_12)
    "tpu.region"() ({
      %run_scoped3A = tpu.sem_alloc : memref<!tpu.dma_semaphore, #tpu.memory_space<semaphore_mem>>
      %dma_start3A = arith.constant 0 : i32
      %dma_start3A_24 = tpu.memref_slice %arg13[%mul3A_2, %dma_start3A] : memref<10240x128xf32, #tpu.memory_space<vmem_shared>> -> memref<640x128xf32, #tpu.memory_space<vmem_shared>>
      %dma_start3A_25 = arith.constant 0 : i32
      %dma_start3A_26 = tpu.memref_slice %arg5[%mul3A_2, %dma_start3A_25] : memref<10240x128xf32, #tpu.memory_space<hbm>> -> memref<640x128xf32, #tpu.memory_space<hbm>>
      tpu.enqueue_dma source(%dma_start3A_26 : memref<640x128xf32, #tpu.memory_space<hbm>>) target(%dma_start3A_24 : memref<640x128xf32, #tpu.memory_space<vmem_shared>>) target_semaphore(%run_scoped3A : memref<!tpu.dma_semaphore, #tpu.memory_space<semaphore_mem>>)
      %dma_wait3A = arith.constant 0 : i32
      %dma_wait3A_27 = tpu.memref_slice %arg13[%mul3A_2, %dma_wait3A] : memref<10240x128xf32, #tpu.memory_space<vmem_shared>> -> memref<640x128xf32, #tpu.memory_space<vmem_shared>>
      %dma_wait3A_28 = arith.constant 0 : i32
      %dma_wait3A_29 = tpu.memref_slice %arg5[%mul3A_2, %dma_wait3A_28] : memref<10240x128xf32, #tpu.memory_space<hbm>> -> memref<640x128xf32, #tpu.memory_space<hbm>>
      tpu.wait_dma2 semaphore(%run_scoped3A : memref<!tpu.dma_semaphore, #tpu.memory_space<semaphore_mem>>) src(%dma_wait3A_29 : memref<640x128xf32, #tpu.memory_space<hbm>>) dst(%dma_wait3A_27 : memref<640x128xf32, #tpu.memory_space<vmem_shared>>)
      tpu.yield
    }) : () -> ()
    "tpu.region"() ({
      %run_scoped3A = tpu.sem_alloc : memref<!tpu.dma_semaphore, #tpu.memory_space<semaphore_mem>>
      tpu.enqueue_dma source(%arg6 : memref<80x128xf32, #tpu.memory_space<hbm>>) target(%arg11 : memref<80x128xf32, #tpu.memory_space<vmem>>) target_semaphore(%run_scoped3A : memref<!tpu.dma_semaphore, #tpu.memory_space<semaphore_mem>>)
      tpu.wait_dma2 semaphore(%run_scoped3A : memref<!tpu.dma_semaphore, #tpu.memory_space<semaphore_mem>>) src(%arg6 : memref<80x128xf32, #tpu.memory_space<hbm>>) dst(%arg11 : memref<80x128xf32, #tpu.memory_space<vmem>>)
      tpu.yield
    }) : () -> ()
    %barrier3A_13 = arith.constant 0 : index
    tpu.barrier barrier_id(%barrier3A_13)
    %scan3A_14 = arith.constant 0 : i32
    %scan3A_15 = arith.constant 0 : i32
    %scan3A_16 = arith.constant 5 : i32
    %scan3A_17 = arith.addi %scan3A_15, %scan3A_16 : i32
    %scan3A_18 = arith.constant 1 : i32
    scf.for %scan3A_24 = %scan3A_15 to %scan3A_17 step %scan3A_18  : i32 {
      "tpu.region"() ({
        %run_scoped3A_31 = tpu.sem_alloc : memref<!tpu.dma_semaphore, #tpu.memory_space<semaphore_mem>>
        %dma_start3A = arith.constant 0 : i32
        %dma_start3A_32 = arith.constant 0 : i32
        %dma_start3A_33 = tpu.memref_slice %arg4[%add3A, %scan3A_24, %dma_start3A, %dma_start3A_32] : memref<32x5x25x80xi32, #tpu.memory_space<hbm>> -> memref<1x1x25x80xi32, #tpu.memory_space<hbm>>
        %dma_start3A_34 = tpu.memref_squeeze %dma_start3A_33 : memref<1x1x25x80xi32, #tpu.memory_space<hbm>> -> memref<25x80xi32, #tpu.memory_space<hbm>>
        %dma_start3A_35 = arith.constant 0 : i32
        %dma_start3A_36 = arith.constant 0 : i32
        %dma_start3A_37 = tpu.memref_slice %arg4[%add3A, %scan3A_24, %dma_start3A_35, %dma_start3A_36] : memref<32x5x25x80xi32, #tpu.memory_space<hbm>> -> memref<1x1x25x80xi32, #tpu.memory_space<hbm>>
        %dma_start3A_38 = tpu.memref_squeeze %dma_start3A_37 : memref<1x1x25x80xi32, #tpu.memory_space<hbm>> -> memref<25x80xi32, #tpu.memory_space<hbm>>
        tpu.enqueue_dma source(%dma_start3A_38 : memref<25x80xi32, #tpu.memory_space<hbm>>) target(%arg10 : memref<25x80xi32, #tpu.memory_space<vmem>>) target_semaphore(%run_scoped3A_31 : memref<!tpu.dma_semaphore, #tpu.memory_space<semaphore_mem>>)
        %dma_wait3A = arith.constant 0 : i32
        %dma_wait3A_39 = arith.constant 0 : i32
        %dma_wait3A_40 = tpu.memref_slice %arg4[%add3A, %scan3A_24, %dma_wait3A, %dma_wait3A_39] : memref<32x5x25x80xi32, #tpu.memory_space<hbm>> -> memref<1x1x25x80xi32, #tpu.memory_space<hbm>>
        %dma_wait3A_41 = tpu.memref_squeeze %dma_wait3A_40 : memref<1x1x25x80xi32, #tpu.memory_space<hbm>> -> memref<25x80xi32, #tpu.memory_space<hbm>>
        %dma_wait3A_42 = arith.constant 0 : i32
        %dma_wait3A_43 = arith.constant 0 : i32
        %dma_wait3A_44 = tpu.memref_slice %arg4[%add3A, %scan3A_24, %dma_wait3A_42, %dma_wait3A_43] : memref<32x5x25x80xi32, #tpu.memory_space<hbm>> -> memref<1x1x25x80xi32, #tpu.memory_space<hbm>>
        %dma_wait3A_45 = tpu.memref_squeeze %dma_wait3A_44 : memref<1x1x25x80xi32, #tpu.memory_space<hbm>> -> memref<25x80xi32, #tpu.memory_space<hbm>>
        tpu.wait_dma2 semaphore(%run_scoped3A_31 : memref<!tpu.dma_semaphore, #tpu.memory_space<semaphore_mem>>) src(%dma_wait3A_45 : memref<25x80xi32, #tpu.memory_space<hbm>>) dst(%arg10 : memref<25x80xi32, #tpu.memory_space<vmem>>)
        tpu.yield
      }) : () -> ()
      %scan3A_25 = arith.constant 0 : i32
      %scan3A_26 = arith.constant 0 : i32
      %scan3A_27 = arith.constant 12 : i32
      %scan3A_28 = arith.addi %scan3A_26, %scan3A_27 : i32
      %scan3A_29 = arith.constant 1 : i32
      scf.for %scan3A_31 = %scan3A_26 to %scan3A_28 step %scan3A_29  : i32 {
        %mul3A_32 = arith.constant 2 : i32
        %mul3A_33 = arith.muli %mul3A_32, %scan3A_31 : i32
        %dma_start3A = arith.constant 0 : i32
        %dma_start3A_34 = tpu.memref_slice %arg10[%mul3A_33, %dma_start3A] : memref<25x80xi32, #tpu.memory_space<vmem>> -> memref<1x80xi32, #tpu.memory_space<vmem>>
        %dma_start3A_35 = tpu.memref_squeeze %dma_start3A_34 : memref<1x80xi32, #tpu.memory_space<vmem>> -> memref<80xi32, #tpu.memory_space<vmem>>
        %dma_start3A_36 = arith.constant 0 : i32
        %dma_start3A_37 = arith.constant 0 : i32
        %dma_start3A_38 = tpu.memref_slice %arg13[%dma_start3A_36, %dma_start3A_37] : memref<10240x128xf32, #tpu.memory_space<vmem_shared>> -> memref<10240x128xf32, #tpu.memory_space<vmem_shared>>
        tpu.enqueue_indirect_dma source(%arg11 : memref<80x128xf32, #tpu.memory_space<vmem>>) target(%dma_start3A_38 : memref<10240x128xf32, #tpu.memory_space<vmem_shared>>) offsets(%dma_start3A_35 : memref<80xi32, #tpu.memory_space<vmem>>) semaphore(%arg14 : memref<!tpu.dma_semaphore, #tpu.memory_space<semaphore_mem>>) {add = true}
        %mul3A_39 = arith.constant 2 : i32
        %mul3A_40 = arith.muli %mul3A_39, %scan3A_31 : i32
        %add3A_41 = arith.constant 1 : i32
        %add3A_42 = arith.addi %mul3A_40, %add3A_41 : i32
        %dma_start3A_43 = arith.constant 0 : i32
        %dma_start3A_44 = tpu.memref_slice %arg10[%add3A_42, %dma_start3A_43] : memref<25x80xi32, #tpu.memory_space<vmem>> -> memref<1x80xi32, #tpu.memory_space<vmem>>
        %dma_start3A_45 = tpu.memref_squeeze %dma_start3A_44 : memref<1x80xi32, #tpu.memory_space<vmem>> -> memref<80xi32, #tpu.memory_space<vmem>>
        %dma_start3A_46 = arith.constant 0 : i32
        %dma_start3A_47 = arith.constant 0 : i32
        %dma_start3A_48 = tpu.memref_slice %arg13[%dma_start3A_46, %dma_start3A_47] : memref<10240x128xf32, #tpu.memory_space<vmem_shared>> -> memref<10240x128xf32, #tpu.memory_space<vmem_shared>>
        tpu.enqueue_indirect_dma source(%arg11 : memref<80x128xf32, #tpu.memory_space<vmem>>) target(%dma_start3A_48 : memref<10240x128xf32, #tpu.memory_space<vmem_shared>>) offsets(%dma_start3A_45 : memref<80xi32, #tpu.memory_space<vmem>>) semaphore(%arg15 : memref<!tpu.dma_semaphore, #tpu.memory_space<semaphore_mem>>) {add = true}
        %dma_wait3A = arith.constant 0 : i32
        %dma_wait3A_49 = tpu.memref_slice %arg10[%mul3A_33, %dma_wait3A] : memref<25x80xi32, #tpu.memory_space<vmem>> -> memref<1x80xi32, #tpu.memory_space<vmem>>
        %dma_wait3A_50 = tpu.memref_squeeze %dma_wait3A_49 : memref<1x80xi32, #tpu.memory_space<vmem>> -> memref<80xi32, #tpu.memory_space<vmem>>
        %dma_wait3A_51 = arith.constant 0 : i32
        %dma_wait3A_52 = arith.constant 0 : i32
        %dma_wait3A_53 = tpu.memref_slice %arg13[%dma_wait3A_51, %dma_wait3A_52] : memref<10240x128xf32, #tpu.memory_space<vmem_shared>> -> memref<10240x128xf32, #tpu.memory_space<vmem_shared>>
        tpu.wait_indirect_dma semaphore(%arg14 : memref<!tpu.dma_semaphore, #tpu.memory_space<semaphore_mem>>) src(%arg11 : memref<80x128xf32, #tpu.memory_space<vmem>>) dst(%dma_wait3A_53 : memref<10240x128xf32, #tpu.memory_space<vmem_shared>>)
        %dma_wait3A_54 = arith.constant 0 : i32
        %dma_wait3A_55 = tpu.memref_slice %arg10[%add3A_42, %dma_wait3A_54] : memref<25x80xi32, #tpu.memory_space<vmem>> -> memref<1x80xi32, #tpu.memory_space<vmem>>
        %dma_wait3A_56 = tpu.memref_squeeze %dma_wait3A_55 : memref<1x80xi32, #tpu.memory_space<vmem>> -> memref<80xi32, #tpu.memory_space<vmem>>
        %dma_wait3A_57 = arith.constant 0 : i32
        %dma_wait3A_58 = arith.constant 0 : i32
        %dma_wait3A_59 = tpu.memref_slice %arg13[%dma_wait3A_57, %dma_wait3A_58] : memref<10240x128xf32, #tpu.memory_space<vmem_shared>> -> memref<10240x128xf32, #tpu.memory_space<vmem_shared>>
        tpu.wait_indirect_dma semaphore(%arg15 : memref<!tpu.dma_semaphore, #tpu.memory_space<semaphore_mem>>) src(%arg11 : memref<80x128xf32, #tpu.memory_space<vmem>>) dst(%dma_wait3A_59 : memref<10240x128xf32, #tpu.memory_space<vmem_shared>>)
      }
      %scan3A_30 = arith.constant 12 : i32
      %run_scoped3A = arith.constant 24 : i32
      "tpu.region"() ({
        %run_scoped3A_31 = tpu.sem_alloc : memref<!tpu.dma_semaphore, #tpu.memory_space<semaphore_mem>>
        %dma_start3A = arith.constant 0 : i32
        %dma_start3A_32 = tpu.memref_slice %arg10[%run_scoped3A, %dma_start3A] : memref<25x80xi32, #tpu.memory_space<vmem>> -> memref<1x80xi32, #tpu.memory_space<vmem>>
        %dma_start3A_33 = tpu.memref_squeeze %dma_start3A_32 : memref<1x80xi32, #tpu.memory_space<vmem>> -> memref<80xi32, #tpu.memory_space<vmem>>
        %dma_start3A_34 = arith.constant 0 : i32
        %dma_start3A_35 = arith.constant 0 : i32
        %dma_start3A_36 = tpu.memref_slice %arg13[%dma_start3A_34, %dma_start3A_35] : memref<10240x128xf32, #tpu.memory_space<vmem_shared>> -> memref<10240x128xf32, #tpu.memory_space<vmem_shared>>
        tpu.enqueue_indirect_dma source(%arg11 : memref<80x128xf32, #tpu.memory_space<vmem>>) target(%dma_start3A_36 : memref<10240x128xf32, #tpu.memory_space<vmem_shared>>) offsets(%dma_start3A_33 : memref<80xi32, #tpu.memory_space<vmem>>) semaphore(%run_scoped3A_31 : memref<!tpu.dma_semaphore, #tpu.memory_space<semaphore_mem>>) {add = true}
        %dma_wait3A = arith.constant 0 : i32
        %dma_wait3A_37 = tpu.memref_slice %arg10[%run_scoped3A, %dma_wait3A] : memref<25x80xi32, #tpu.memory_space<vmem>> -> memref<1x80xi32, #tpu.memory_space<vmem>>
        %dma_wait3A_38 = tpu.memref_squeeze %dma_wait3A_37 : memref<1x80xi32, #tpu.memory_space<vmem>> -> memref<80xi32, #tpu.memory_space<vmem>>
        %dma_wait3A_39 = arith.constant 0 : i32
        %dma_wait3A_40 = arith.constant 0 : i32
        %dma_wait3A_41 = tpu.memref_slice %arg13[%dma_wait3A_39, %dma_wait3A_40] : memref<10240x128xf32, #tpu.memory_space<vmem_shared>> -> memref<10240x128xf32, #tpu.memory_space<vmem_shared>>
        tpu.wait_indirect_dma semaphore(%run_scoped3A_31 : memref<!tpu.dma_semaphore, #tpu.memory_space<semaphore_mem>>) src(%arg11 : memref<80x128xf32, #tpu.memory_space<vmem>>) dst(%dma_wait3A_41 : memref<10240x128xf32, #tpu.memory_space<vmem_shared>>)
        tpu.yield
      }) : () -> ()
    }
    %scan3A_19 = arith.constant 5 : i32
    %barrier3A_20 = arith.constant 0 : index
    tpu.barrier barrier_id(%barrier3A_20)
    %mul3A_21 = arith.constant 10240 : i32
    %mul3A_22 = arith.muli %arg0, %mul3A_21 : i32
    %add3A_23 = arith.addi %mul3A_22, %mul3A_2 : i32
    "tpu.region"() ({
      %run_scoped3A = tpu.sem_alloc : memref<!tpu.dma_semaphore, #tpu.memory_space<semaphore_mem>>
      %dma_start3A = arith.constant 0 : i32
      %dma_start3A_24 = tpu.memref_slice %arg8[%add3A_23, %dma_start3A] : memref<20480x128xf32, #tpu.memory_space<hbm>> -> memref<640x128xf32, #tpu.memory_space<hbm>>
      %dma_start3A_25 = arith.constant 0 : i32
      %dma_start3A_26 = tpu.memref_slice %arg13[%mul3A_2, %dma_start3A_25] : memref<10240x128xf32, #tpu.memory_space<vmem_shared>> -> memref<640x128xf32, #tpu.memory_space<vmem_shared>>
      tpu.enqueue_dma source(%dma_start3A_26 : memref<640x128xf32, #tpu.memory_space<vmem_shared>>) target(%dma_start3A_24 : memref<640x128xf32, #tpu.memory_space<hbm>>) target_semaphore(%run_scoped3A : memref<!tpu.dma_semaphore, #tpu.memory_space<semaphore_mem>>)
      %dma_wait3A = arith.constant 0 : i32
      %dma_wait3A_27 = tpu.memref_slice %arg8[%add3A_23, %dma_wait3A] : memref<20480x128xf32, #tpu.memory_space<hbm>> -> memref<640x128xf32, #tpu.memory_space<hbm>>
      %dma_wait3A_28 = arith.constant 0 : i32
      %dma_wait3A_29 = tpu.memref_slice %arg13[%mul3A_2, %dma_wait3A_28] : memref<10240x128xf32, #tpu.memory_space<vmem_shared>> -> memref<640x128xf32, #tpu.memory_space<vmem_shared>>
      tpu.wait_dma2 semaphore(%run_scoped3A : memref<!tpu.dma_semaphore, #tpu.memory_space<semaphore_mem>>) src(%dma_wait3A_29 : memref<640x128xf32, #tpu.memory_space<vmem_shared>>) dst(%dma_wait3A_27 : memref<640x128xf32, #tpu.memory_space<hbm>>)
      tpu.yield
    }) : () -> ()
    return
  }
}

module attributes {stable_mosaic.version = 14 : i64} {
  func.func @body(%arg0: i32, %arg1: memref<2x1024x128xf32, #tpu.memory_space<vmem>>, %arg2: memref<2x1024x128xf32, #tpu.memory_space<vmem>>, %arg3: memref<1024x128xf32, #tpu.memory_space<vmem>>, %arg4: memref<256x256xf32, #tpu.memory_space<vmem>>, %arg5: memref<1x256xf32, #tpu.memory_space<vmem>>, %arg6: memref<1024x256xf32, #tpu.memory_space<vmem>>) attributes {dimension_semantics = [#tpu.dimension_semantics<arbitrary>], iteration_bounds = array<i64: 10>, scalar_prefetch = 0 : i64, scratch_operands = 0 : i64, tpu.core_type = #tpu.core_type<tc>, window_params = [{transform_indices = @transform_0, window_bounds = array<i64: 2, 1024, 128>}, {transform_indices = @transform_1, window_bounds = array<i64: 2, 1024, 128>}, {transform_indices = @transform_2, window_bounds = array<i64: 1024, 128>}, {pipeline_mode = #tpu.pipeline_mode<synchronous>, transform_indices = @transform_3, window_bounds = array<i64: 256, 256>}, {pipeline_mode = #tpu.pipeline_mode<synchronous>, transform_indices = @transform_4, window_bounds = array<i64: 1, 256>}, {transform_indices = @transform_5, window_bounds = array<i64: 1024, 256>}]} {
    %get3A = arith.constant 0 : index
    %get3A_0 = arith.constant 0 : index
    %get3A_1 = arith.constant 0 : index
    %get3A_2 = vector.load %arg1[%get3A, %get3A_0, %get3A_1] : memref<2x1024x128xf32, #tpu.memory_space<vmem>>, vector<1x1024x128xf32>
    %get3A_3 = vector.shape_cast %get3A_2 : vector<1x1024x128xf32> to vector<1024x128xf32>
    %get3A_4 = arith.constant 1 : index
    %get3A_5 = arith.constant 0 : index
    %get3A_6 = arith.constant 0 : index
    %get3A_7 = vector.load %arg1[%get3A_4, %get3A_5, %get3A_6] : memref<2x1024x128xf32, #tpu.memory_space<vmem>>, vector<1x1024x128xf32>
    %get3A_8 = vector.shape_cast %get3A_7 : vector<1x1024x128xf32> to vector<1024x128xf32>
    %add3A = arith.addf %get3A_3, %get3A_8 : vector<1024x128xf32>
    %get3A_9 = arith.constant 0 : index
    %get3A_10 = arith.constant 0 : index
    %get3A_11 = arith.constant 0 : index
    %get3A_12 = vector.load %arg2[%get3A_9, %get3A_10, %get3A_11] : memref<2x1024x128xf32, #tpu.memory_space<vmem>>, vector<1x1024x128xf32>
    %get3A_13 = vector.shape_cast %get3A_12 : vector<1x1024x128xf32> to vector<1024x128xf32>
    %slice3A = vector.extract_strided_slice %get3A_13 {offsets = [0, 0], sizes = [1024, 1], strides = [1, 1]} : vector<1024x128xf32> to vector<1024x1xf32>
    %get3A_14 = arith.constant 1 : index
    %get3A_15 = arith.constant 0 : index
    %get3A_16 = arith.constant 0 : index
    %get3A_17 = vector.load %arg2[%get3A_14, %get3A_15, %get3A_16] : memref<2x1024x128xf32, #tpu.memory_space<vmem>>, vector<1x1024x128xf32>
    %get3A_18 = vector.shape_cast %get3A_17 : vector<1x1024x128xf32> to vector<1024x128xf32>
    %slice3A_19 = vector.extract_strided_slice %get3A_18 {offsets = [0, 0], sizes = [1024, 1], strides = [1, 1]} : vector<1024x128xf32> to vector<1024x1xf32>
    %add3A_20 = arith.addf %slice3A, %slice3A_19 : vector<1024x1xf32>
    %max3A = arith.constant 1.000000e+00 : f32
    %max3A_21 = vector.broadcast %max3A : f32 to vector<1024x1xf32>
    %max3A_22 = arith.maximumf %add3A_20, %max3A_21 : vector<1024x1xf32>
    %div3A = vector.broadcast %max3A_22 : vector<1024x1xf32> to vector<1024x128xf32>
    %div3A_23 = arith.divf %add3A, %div3A : vector<1024x128xf32>
    %get3A_24 = arith.constant 0 : index
    %get3A_25 = arith.constant 0 : index
    %get3A_26 = vector.load %arg3[%get3A_24, %get3A_25] : memref<1024x128xf32, #tpu.memory_space<vmem>>, vector<1024x128xf32>
    %concatenate3A = tpu.concatenate %div3A_23, %get3A_26 in 1 : vector<1024x128xf32>, vector<1024x128xf32> -> vector<1024x256xf32>
    %get3A_27 = arith.constant 0 : index
    %get3A_28 = arith.constant 0 : index
    %get3A_29 = vector.load %arg4[%get3A_27, %get3A_28] : memref<256x256xf32, #tpu.memory_space<vmem>>, vector<256x256xf32>
    %dot_general3A = arith.constant dense<0.000000e+00> : vector<1024x256xf32>
    %dot_general3A_30 = tpu.matmul %concatenate3A, %get3A_29, %dot_general3A {dimension_numbers = #tpu.dot_dimension_numbers<[1], [0], [0], [1], [0, 0, 1, 1], [], []>, transpose_lhs_hint = false} : vector<1024x256xf32>, vector<256x256xf32>, vector<1024x256xf32> -> vector<1024x256xf32>
    %get3A_31 = arith.constant 0 : index
    %get3A_32 = arith.constant 0 : index
    %get3A_33 = vector.load %arg5[%get3A_31, %get3A_32] : memref<1x256xf32, #tpu.memory_space<vmem>>, vector<1x256xf32>
    %add3A_34 = vector.broadcast %get3A_33 : vector<1x256xf32> to vector<1024x256xf32>
    %add3A_35 = arith.addf %dot_general3A_30, %add3A_34 : vector<1024x256xf32>
    %swap3A = arith.constant 0 : index
    %swap3A_36 = arith.constant 0 : index
    %swap3A_37 = vector.load %arg6[%swap3A, %swap3A_36] : memref<1024x256xf32, #tpu.memory_space<vmem>>, vector<1024x256xf32>
    tpu.vector_store %arg6[%swap3A, %swap3A_36], %add3A_35 {strides = array<i32>} : memref<1024x256xf32, #tpu.memory_space<vmem>>, vector<1024x256xf32>,
    return
  }
  func.func @transform_0(%arg0: i32) -> (i32, i32, i32) {
    %c0_i32 = arith.constant 0 : i32
    %c0_i32_0 = arith.constant 0 : i32
    %c0_i32_1 = arith.constant 0 : i32
    return %c0_i32, %arg0, %c0_i32_0 : i32, i32, i32
  }
  func.func @transform_1(%arg0: i32) -> (i32, i32, i32) {
    %c0_i32 = arith.constant 0 : i32
    %c0_i32_0 = arith.constant 0 : i32
    %c0_i32_1 = arith.constant 0 : i32
    return %c0_i32, %arg0, %c0_i32_0 : i32, i32, i32
  }
  func.func @transform_2(%arg0: i32) -> (i32, i32) {
    %c0_i32 = arith.constant 0 : i32
    %c0_i32_0 = arith.constant 0 : i32
    return %arg0, %c0_i32 : i32, i32
  }
  func.func @transform_3(%arg0: i32) -> (i32, i32) {
    %c0_i32 = arith.constant 0 : i32
    %c0_i32_0 = arith.constant 0 : i32
    %c0_i32_1 = arith.constant 0 : i32
    return %c0_i32, %c0_i32_0 : i32, i32
  }
  func.func @transform_4(%arg0: i32) -> (i32, i32) {
    %c0_i32 = arith.constant 0 : i32
    %c0_i32_0 = arith.constant 0 : i32
    %c0_i32_1 = arith.constant 0 : i32
    return %c0_i32, %c0_i32_0 : i32, i32
  }
  func.func @transform_5(%arg0: i32) -> (i32, i32) {
    %c0_i32 = arith.constant 0 : i32
    %c0_i32_0 = arith.constant 0 : i32
    return %arg0, %c0_i32 : i32, i32
  }
}

</mosaic_0001>

<sc_bundles>
// kernel: kernel.4.cloned.1.call-start
scs
__scs_entry_jumppad:
0x0: {  	(pc) =	sbr.rel $0x88, $3  }
0x1: {  	(tag) =	ssettag $0x0;
	lr =	simm.s32 $0x1  }
0x2: {  	[smem:$0x3F9C] =	sst lr;
	_ =	strace $0xD0000000  }
0x3: {  	_ = 	snop  }
0x4: {  	_ = 	snop  }
0x5: {  	_ = 	snop  }
0x6: {  	_ = 	snop  }
0x7: {  	_ = 	snop  }
__scs_overlays_trampoline_lowered:
0x8: {  	[smem:$0x3FAB] =	sst s0  }
0x9: {  	[smem:$0x3FAC] =	sst s1  }
0xa: {  	[smem:$0x3FAD] =	sst s2  }
0xb: {  	[smem:$0x3FAE] =	sst s3  }
0xc: {  	[smem:$0x3FAF] =	sst s4  }
0xd: {  	[smem:$0x3FB0] =	sst s5  }
0xe: {  	[smem:$0x3FB1] =	sst s6  }
0xf: {  	[smem:$0x3FB2] =	sst s7  }
0x10: {  	[smem:$0x3FB3] =	sst s8  }
0x11: {  	[smem:$0x3FB4] =	sst s9;
	s0 =	simm.s32 @!p0 $0x0  }
0x12: {  	s1 =	sld [smem:$0x3F9A];
	s0 =	simm.s32 @p0 $0x1  }
0x13: {  	[smem:$0x3FB5] =	sst s0;
	s0 =	simm.s32 @!p1 $0x0  }
0x14: {  	s2 =	sld [smem:$0x3F99];
	s0 =	simm.s32 @p1 $0x1  }
0x15: {  	[smem:$0x3FB6] =	sst s0;
	s0 =	simm.s32 @!p2 $0x0  }
0x16: {  	s3 =	sld [smem:$0x3FDB];
	s0 =	simm.s32 @p2 $0x1  }
0x17: {  	s4 =	simm.s32 $0x1BF5;
	[smem:$0x3FB8] =	sst s0  }
0x18: {  	s0 =	sld [smem:$0x3F9B];
	_ =	swait.ge [sflag:s4], $0x0  }
0x19: {  	s7 =	sld [smem:$0x3F9C]  }
0x1a: {  	s8 =	sadd.s32 $0xFFFFE003, lr  }
0x1b: {  	s9 =	sadd.s32 $0xFFFFFEF7, lr;
	s5 =	simm.s32 $0xFFFFFFFF;
	p2 =	slt.u32 s8, $0xFFFFF086  }
0x1c: {  	p1 =	slt.u32 s9, $0xF7A;
	s5 =	simm.s32 @!p2 $0x0  }
0x1d: {  	s5 =	simm.s32 @p1 $0x1;
	p0 =	seq.s32 s7, s2  }
0x1e: {  	s7 =	smul.u32 @!p0 $0xF7A, s2;
	p2 =	seq.s32 @!p0 s5, $0x0  }
0x1f: {  	s9 =	smul.u32 $0xF7A, s1;
	s8 =	simm.s32 @!p0 $0x1BF5;
	p2 =	por !p2, p0  }
0x20: {  	[sflag:s8] =	ssyncset.s32 @!p0 $0xFFFFF086;
	s6 =	sadd.s32 @!p0 s3, s7;
	s7 =	simm.s32 @!p0 $0x108  }
0x21: {  	s3 =	sadd.s32 s3, s9;
	s6 =	sadd.s32 @!p0 $0x88, s6;
	s7 =	simm.s32 @p2 $0x1082  }
0x22: {  	[simem:s7], [sflag:s8] =	dma.local @!p0 [hbm:s6], $0xF7A  }
0x23: {  	s9 =	sor.u32 $0xD0000000, s2;
	s6 =	simm.s32 $0x108;
	_ =	swait.ge @!p0 [sflag:s8], $0x0  }
0x24: {  	s3 =	sadd.s32 $0x88, s3;
	s6 =	simm.s32 @!p1 $0x1082;
	[sflag:s4] =	ssyncset.s32 $0xFFFFF086  }
0x25: {  	[simem:s6], [sflag:s4] =	dma.local [hbm:s3], $0xF7A  }
0x26: {  	[smem:$0x3F9C] =	sst s1;
	(tag) =	ssettag s2;
	_ =	strace s9  }
0x27: {  	s1 =	sld [smem:$0x3FAC]  }
0x28: {  	s2 =	sld [smem:$0x3FAD]  }
0x29: {  	s4 =	sld [smem:$0x3FAF]  }
0x2a: {  	p0 =	seq.s32 s5, $0x0;
	s5 =	sld [smem:$0x3FB0]  }
0x2b: {  	s6 =	sld [smem:$0x3FB1]  }
0x2c: {  	s7 =	sld [smem:$0x3FB2]  }
0x2d: {  	s3 =	simm.s32 $0x108;
	s8 =	sld [smem:$0x3FB3]  }
0x2e: {  	s3 =	simm.s32 @!p0 $0x1082;
	s9 =	sld [smem:$0x3FB4]  }
0x2f: {  	lr =	sadd.s32 s0, s3;
	s0 =	sld [smem:$0x3FAB]  }
0x30: {  	s3 =	sld [smem:$0x3FAE]  }
0x31: {  	[smem:$0x3FB7] =	sst s10  }
0x32: {  	s10 =	sld [smem:$0x3FB5];
	_ =	sdelay $0x3  }
0x33: {  	p0 =	seq.s32 s10, $0x1;
	s10 =	sld [smem:$0x3FB7];
	_ =	sdelay $0x3  }
0x34: {  	[smem:$0x3FB7] =	sst s10  }
0x35: {  	s10 =	sld [smem:$0x3FB6];
	_ =	sdelay $0x3  }
0x36: {  	p1 =	seq.s32 s10, $0x1;
	s10 =	sld [smem:$0x3FB7];
	_ =	sdelay $0x3  }
0x37: {  	[smem:$0x3FB7] =	sst s10  }
0x38: {  	s10 =	sld [smem:$0x3FB8]  }
0x39: {  	_ = 	snop;
	(pc) =	sbr.ind lr, $3  }
0x3a: {  	_ = 	snop  }
0x3b: {  	_ = 	snop  }
0x3c: {  	p2 =	seq.s32 s10, $0x1;
	s10 =	sld [smem:$0x3FB7]  }
0x3d: {  	_ =	shalt  }
0x3e: {  	_ =	shalt  }
0x3f: {  	_ =	shalt  }
0x40: {  	_ =	shalt  }
0x41: {  	_ =	shalt  }
0x42: {  	_ =	shalt  }
0x43: {  	_ =	shalt  }
0x44: {  	_ =	shalt  }
0x45: {  	_ =	shalt  }
0x46: {  	_ =	shalt  }
0x47: {  	_ =	shalt  }
0x48: {  	_ =	shalt  }
0x49: {  	_ =	shalt  }
0x4a: {  	_ =	shalt  }
0x4b: {  	_ =	shalt  }
0x4c: {  	_ =	shalt  }
0x4d: {  	_ =	shalt  }
0x4e: {  	_ =	shalt  }
0x4f: {  	_ =	shalt  }
0x50: {  	_ =	shalt  }
0x51: {  	_ =	shalt  }
0x52: {  	_ =	shalt  }
0x53: {  	_ =	shalt  }
0x54: {  	_ =	shalt  }
0x55: {  	_ =	shalt  }
0x56: {  	_ =	shalt  }
0x57: {  	_ =	shalt  }
0x58: {  	_ =	shalt  }
0x59: {  	_ =	shalt  }
0x5a: {  	_ =	shalt  }
0x5b: {  	_ =	shalt  }
0x5c: {  	_ =	shalt  }
0x5d: {  	_ =	shalt  }
0x5e: {  	_ =	shalt  }
0x5f: {  	_ =	shalt  }
0x60: {  	_ =	shalt  }
0x61: {  	_ =	shalt  }
0x62: {  	_ =	shalt  }
0x63: {  	_ =	shalt  }
0x64: {  	_ =	shalt  }
0x65: {  	_ =	shalt  }
0x66: {  	_ =	shalt  }
0x67: {  	_ =	shalt  }
0x68: {  	_ =	shalt  }
0x69: {  	_ =	shalt  }
0x6a: {  	_ =	shalt  }
0x6b: {  	_ =	shalt  }
0x6c: {  	_ =	shalt  }
0x6d: {  	_ =	shalt  }
0x6e: {  	_ =	shalt  }
0x6f: {  	_ =	shalt  }
0x70: {  	_ =	shalt  }
0x71: {  	_ =	shalt  }
0x72: {  	_ =	shalt  }
0x73: {  	_ =	shalt  }
0x74: {  	_ =	shalt  }
0x75: {  	_ =	shalt  }
0x76: {  	_ =	shalt  }
0x77: {  	_ =	shalt  }
0x78: {  	_ =	shalt  }
0x79: {  	_ =	shalt  }
0x7a: {  	_ =	shalt  }
0x7b: {  	_ =	shalt  }
0x7c: {  	_ =	shalt  }
0x7d: {  	_ =	shalt  }
0x7e: {  	_ =	shalt  }
0x7f: {  	_ =	shalt  }
0x80: {  	_ =	shalt  }
0x81: {  	_ =	shalt  }
0x82: {  	_ =	shalt  }
0x83: {  	_ =	shalt  }
0x84: {  	_ =	shalt  }
0x85: {  	_ =	shalt  }
0x86: {  	_ =	shalt  }
0x87: {  	_ =	shalt  }
.Lfunc_end0:
.L_simem_size_0:
called_computation_lowered:
.L_overlay_start_0:
0x88: {  	s2 =	sld [smem:$0x3FD9]  }
0x89: {  	s3 =	sld [smem:$0x3FFE];
	_ =	sdelay $0x1  }
0x8a: {  	s1 =	srdreg.scid  }
0x8b: {  	s0 =	sand.u32 $0x1, s1  }
0x8c: {  	s17 =	sshll.u32 s0, $0xA;
	s2 =	sadd.s32 s3, s2  }
0x8d: {  	s2 =	sadd.s32 s2, s17  }
0x8e: {  	[smem:$0x3FC3] =	sst s2  }
0x8f: {  	_ = 	snop  }
0x90: {  	s2 =	sld [smem:$0x3FD0];
	(tm) =	ssettm $0x1  }
0x91: {  	s18 =	sld [smem:$0x3FFB];
	_ =	sdelay $0x3  }
0x92: {  	_ =	strace s18  }
0x93: {  	s3 =	sld [smem:$0x3FFC];
	_ =	sdelay $0x3  }
0x94: {  	_ =	strace s3  }
0x95: {  	s3 =	sld [smem:$0x3FFD];
	_ =	sdelay $0x3  }
0x96: {  	_ =	strace s3  }
0x97: {  	_ =	strace $0x8FFFFFFF  }
0x98: {  	s19 =	sld [smem:$0x3FDB];
	_ =	sdelay $0x1  }
0x99: {  	s4 =	simm.s32 $_scs_section_size  }
0x9a: {  	s5 =	simm.s32 $_size__tile_overlayer_lowered;
	s6 =	simm.s32 $_tile_overlayer_lowered  }
0x9b: {  	s22 =	simm.s32 $0x1BFF;
	s21 =	sshll.u32 s6, $0x1;
	s3 =	sadd.s32 s4, s19  }
0x9c: {  	s7 =	simm.s32 $0x0;
	s20 =	sshll.u32 s5, $0x1;
	s5 =	sadd.s32 s21, s3  }
0x9d: {  	[timem:s7], [sflag:s22] =	dma.local [hbm:s5], s20  }
0x9e: {  	_ =	swait.ge [sflag:s22], s20  }
0x9f: {  	s4 =	ssub.s32 $0x0, s20;
	[sflag:s22] =	ssyncset.done $0x0  }
0xa0: {  	[sflag:s22] =	ssyncadd.s32 s4;
	_ =	sdelay $0x1  }
0xa1: {  	s23 =	simm.s32 $0x1B8B  }
0xa2: {  	_ =	swait.ge [sflag:s23], $0x1  }
0xa3: {  	[sflag:s23] =	ssyncset.done $0x0  }
0xa4: {  	s25 =	simm.s32 $0x1B8E;
	s24 =	sld [smem:$0x3FFE];
	[sflag:s23] =	ssyncadd.s32 $0xFFFFFFFF  }
0xa5: {  	s26 =	simm.s32 $execute0_lowered;
	[smem:$0x3FD2] =	sst s25  }
0xa6: {  	s5 =	sshll.u32 s26, $0x1;
	_ =	strace $0x80000046;
	[dreg:$0x1] =	wrdreg $0xFFFFFFFF  }
0xa7: {  	s28 =	simm.s32 $_size_execute0_lowered;
	s3 =	sadd.s32 s3, s5;
	[dreg:$0x0] =	wrdreg $0x0  }
0xa8: {  	s5 =	sshll.u32 s28, $0x1;
	[dreg:$0x2] =	wrdreg s3  }
0xa9: {  	[dreg:$0x3] =	wrdreg s5  }
0xaa: {  	[dreg:$0x4] =	wrdreg $0xC0  }
0xab: {  	_ =	task [dreg:s7], $0x5FFFF  }
0xac: {  	[dreg:$0x1] =	wrdreg $0xFFFFFFFF  }
0xad: {  	[dreg:$0x0] =	wrdreg $0x60  }
0xae: {  	[dreg:$0x2] =	wrdreg s2  }
0xaf: {  	[dreg:$0x3] =	wrdreg s24  }
0xb0: {  	[dreg:$0x4] =	wrdreg $0x70000  }
0xb1: {  	[dreg:$0x5] =	wrdreg $0x9  }
0xb2: {  	_ =	task.clear_ibuf [dreg:s7], $0x6FFFF;
	_ =	strace $0x90000046  }
0xb3: {  	s29 =	simm.s32 $0x9;
	_ =	strace $0x80000048  }
0xb4: {  	_ =	swait.ge [sflag:s29], $0x1  }
0xb5: {  	[sflag:s29] =	ssyncadd.s32 $0xFFFFFFFF  }
0xb6: {  	_ =	strace $0x90000048  }
0xb7: {  	_ =	sfence  }
0xb8: {  	s30 =	sld [smem:$0x0];
	_ =	sdelay $0x2  }
0xb9: {  	s31 =	sshll.u32 s1, $0xD;
	s1 =	sshrl.u32 s1, $0x2  }
0xba: {  	s3 =	sand.u32 $0x4000, s31;
	s1 =	sadd.s32 s1, s30  }
0xbb: {  	s0 =	sor.u32 s3, s0;
	s1 =	sshll.u32 s1, $0x11  }
0xbc: {  	s0 =	sor.u32 s1, s0  }
0xbd: {  	s0 =	sadd.s32 $0x8F2B, s0  }
0xbe: {  	[sflag:s0] =	ssyncadd.remote.s32 $0x1  }
0xbf: {  	_ =	sfence.sel $0xFFFF  }
0xc0: {  	[dreg:$0x0] =	wrdreg $0xFFFFFFFF;
	(pc) =	sbr.abs _section_cstart, $3  }
0xc1: {  	[dreg:$0x1] =	wrdreg $0xFFFFFFFF  }
0xc2: {  	_ =	task.clear_ibuf [dreg:s7], $0x2FFFF;
	_ =	strace $0x9FFFFFFF  }
0xc3: {  	(tm) =	ssettm $0x7FFFFFFF  }
tec
execute0_lowered:
.L_overlay_start_1:
0x0: {  	(tag) =	ssettag $0x1  }
0x1: {  	s2 =	rddreg [dreg:$0x0]  }
0x2: {  	s0 =	rddreg [dreg:$0x1]  }
0x3: {  	s3 =	rddreg [dreg:$0x2];
	s9 =	stileid.u32;
	s5 =	simm.s32 $0x0  }
0x4: {  	s4 =	srdreg.scid;
	s22 =	simm.s32 $0x1080;
	s23 =	simm.s32 $0x1100  }
0x5: {  	s25 =	simm.s32 $0x1180;
	s26 =	simm.s32 $0x1200;
	s28 =	simm.s32 $0x1300  }
0x6: {  	s29 =	simm.s32 $0x1380;
	[smem:$0x7FF] =	sst s5;
	s7 =	sadd.s32 $0x1600, s0  }
0x7: {  	s11 =	sadd.s32 $0x51600, s0;
	_ =	strace $0x80000047;
	[dreg:$0x9] =	wrdreg s7  }
0x8: {  	s1 =	smul.u32 $0x2800, s9;
	s10 =	sadd.s32 $0x15600, s0;
	[dreg:$0xb] =	wrdreg s11  }
0x9: {  	s30 =	simm.s32 $0x1400;
	s8 =	smul.u32 $0x280, s9;
	[dreg:$0xa] =	wrdreg s10  }
0xa: {  	s4 =	sand.u32 $0x1, s4;
	s17 =	smul.u32 $0x5000, s9;
	[dreg:$0x5] =	wrdreg s22  }
0xb: {  	s31 =	simm.s32 $0x1480;
	s6 =	smul.u32 $0x2800, s4;
	[dreg:$0x6] =	wrdreg s23  }
0xc: {  	s12 =	ssub.s32 $0x2, s4;
	s15 =	smul.u32 $0x50000, s4;
	[dreg:$0x7] =	wrdreg s25  }
0xd: {  	s4 =	sshll.u32 s4, $0x4;
	[dreg:$0x8] =	wrdreg s26;
	s11 =	simm.s32 $0x1680  }
0xe: {  	s22 =	simm.s32 $0x1980;
	s23 =	simm.s32 $0x1A00;
	s1 =	sadd.s32 s1, s0  }
0xf: {  	s13 =	sshrl.u32 s12, $0x1;
	s4 =	sor.u32 s9, s4;
	s5 =	sadd.s32 s8, s6  }
0x10: {  	s8 =	smul.u32 $0x50000, s9;
	s14 =	ssub.s32 s12, s13;
	s9 =	sshll.u32 s9, $0x6  }
0x11: {  	s1 =	sadd.s32 $0x29600, s1;
	s18 =	sadd.s32 s17, s15;
	s4 =	smul.u32 $0x5000, s4  }
0x12: {  	s15 =	simm.s32 $0x3;
	s17 =	simm.s32 $0x50;
	s12 =	simm.s32 $0x1700  }
0x13: {  	s13 =	simm.s32 $0x1780;
	s6 =	simm.s32 $0x1A80;
	s5 =	sshll.u32 s5, $0x4  }
0x14: {  	[dreg:$0xc] =	wrdreg s1;
	s24 =	sor.u32 $0x1C03, s9;
	s1 =	sshrl.u32 s18, $0x3  }
0x15: {  	s20 =	smax.u32 s14, $0x1;
	s18 =	simm.s32 $0x2000;
	s9 =	simm.s32 $0x1880  }
0x16: {  	s14 =	simm.s32 $0x1900;
	s0 =	sadd.s32 s5, s0;
	[dreg:$0xe] =	wrdreg s4  }
0x17: {  	s16 =	sshrl.u32 s8, $0x2;
	[dreg:$0x11] =	wrdreg s20;
	s21 =	sadd.s32 s1, s10  }
0x18: {  	s20 =	simm.s32 $0x1;
	s1 =	simm.s32 $0x1C00;
	[dreg:$0xd] =	wrdreg s24  }
0x19: {  	s8 =	simm.s32 $0x1800;
	s5 =	simm.s32 $0x1B00;
	s7 =	sadd.s32 s16, s3  }
0x1a: {  	s19 =	sadd.s32 $0x51C00, s0;
	s0 =	sadd.s32 $0xA1C00, s0;
	[dreg:$0x4] =	wrdreg s21  }
0x1b: {  	s16 =	simm.s32 $0x1000;
	s21 =	simm.s32 $0x2;
	[dreg:$0xf] =	wrdreg s19  }
0x1c: {  	[dreg:$0x10] =	wrdreg s0;
	s10 =	sshrl.u32 s7, $0x3;
	s19 =	simm.s32 $0x4800  }
0x1d: {  	s0 =	simm.s32 $0x0;
	s7 =	simm.s32 $0x1600;
	[dreg:$0x12] =	wrdreg s10  }
.LBB2_1:
0x1e: {  	s4 =	rddreg [dreg:$0xc]  }
0x1f: {  	[spmem:s10], [sflag:s24] =	dma.local [hbm:s4], $0x2800  }
0x20: {  	_ =	swait.ge [sflag:s15], $0x2800  }
0x21: {  	[sflag:s15] =	ssyncset.done $0x0  }
0x22: {  	[sflag:s15] =	ssyncadd.s32 $0xFFFFD800  }
0x23: {  	s4 =	simm.s32 $0x0;
	[bflag:$0x0] =	sbarrier.arrive $0xFFFF  }
.LBB2_2:
0x24: {  	s10 =	sshll.u32 s4, $0xC;
	s24 =	rddreg [dreg:$0xe]  }
0x25: {  	s10 =	sadd.s32 s24, s10  }
0x26: {  	s25 =	rddreg [dreg:$0x9];
	s10 =	sshrl.u32 s10, $0x3  }
0x27: {  	s24 =	sadd.s32 s25, s10;
	s25 =	simm.s32 $0x0  }
0x28: {  	[tilespmem:s25], [sflag:$0x3] =	stream.linear.gather [hbm4b:s24+s25], $0xC80, $0x38;
	[tilespmem:$0x1B000] =	vst v63  }
0x29: {  	_ =	swait.ge [sflag:s15], $0xC80  }
0x2a: {  	[sflag:s15] =	ssyncset.done $0x0;
	s26 =	rddreg [dreg:$0xa]  }
0x2b: {  	[sflag:s15] =	ssyncadd.s32 $0xFFFFF380;
	s10 =	sadd.s32 s26, s10  }
0x2c: {  	[tilespmem:s16], [sflag:$0x3] =	stream.linear.gather [hbm4b:s10+s25], $0xC80, $0x38;
	[tilespmem:$0x1B000] =	vst v63  }
0x2d: {  	_ =	swait.ge [sflag:s15], $0xC80  }
0x2e: {  	[sflag:s15] =	ssyncset.done $0x0  }
0x2f: {  	s26 =	simm.s32 $0x0;
	[sflag:s15] =	ssyncadd.s32 $0xFFFFF380  }
0x30: {  	[tilespmem:s18], [sflag:$0x1] =	stream.indirect.gather [hbm4b:s2+s17], $0x80, s26, s17, $0xb8;
	[tilespmem:$0x1B000] =	vst v63  }
0x31: {  	s24 =	simm.s32 $0x80  }
0x32: {  	[tilespmem:s19], [sflag:$0x2] =	stream.indirect.gather [hbm4b:s2+s17], $0x80, s24, s17, $0xb8;
	[tilespmem:$0x1B000] =	vst v63  }
0x33: {  	_ =	swait.ge [sflag:s20], $0x2800  }
0x34: {  	[sflag:s20] =	ssyncset.done $0x0  }
0x35: {  	s25 =	simm.s32 $0x1000;
	[sflag:s20] =	ssyncadd.s32 $0xFFFFD800  }
0x36: {  	[spmem:s3] =	stream.indirect.scatter.add.f32 [tilespmem:s18], [sflag:$0x3], $0x80, s25, s17, $0xb8;
	[tilespmem:$0x1B000] =	vst v63  }
0x37: {  	_ =	swait.ge [sflag:s15], $0x2800  }
0x38: {  	[sflag:s15] =	ssyncset.done $0x0  }
0x39: {  	[sflag:s15] =	ssyncadd.s32 $0xFFFFD800  }
0x3a: {  	_ =	swait.ge [sflag:s21], $0x2800  }
0x3b: {  	[sflag:s21] =	ssyncset.done $0x0  }
0x3c: {  	s26 =	simm.s32 $0x1080;
	[sflag:s21] =	ssyncadd.s32 $0xFFFFD800  }
0x3d: {  	[spmem:s3] =	stream.indirect.scatter.add.f32 [tilespmem:s19], [sflag:$0x3], $0x80, s26, s17, $0xb8;
	[tilespmem:$0x1B000] =	vst v63  }
0x3e: {  	_ =	swait.ge [sflag:s15], $0x2800  }
0x3f: {  	s10 =	simm.s32 $0x400;
	s24 =	simm.s32 $0x800;
	[sflag:s15] =	ssyncset.done $0x0  }
.LBB2_3:
0x40: {  	s25 =	sshra.s32 s10, $0x2  }
0x41: {  	[sflag:s15] =	ssyncadd.s32 $0xFFFFD800;
	s10 =	smov.u32 s24;
	s26 =	sadd.s32 $0x400, s24  }
0x42: {  	[tilespmem:s18], [sflag:$0x1] =	stream.indirect.gather [hbm4b:s2+s17], $0x80, s25, s17, $0xb8;
	[tilespmem:$0x1B000] =	vst v63  }
0x43: {  	p0 =	sne.s32 s24, $0x2C00;
	s24 =	sadd.s32 $0x80, s25  }
0x44: {  	[tilespmem:s19], [sflag:$0x2] =	stream.indirect.gather [hbm4b:s2+s17], $0x80, s24, s17, $0xb8;
	[tilespmem:$0x1B000] =	vst v63  }
0x45: {  	_ =	swait.ge [sflag:s20], $0x2800  }
0x46: {  	[sflag:s20] =	ssyncset.done $0x0  }
0x47: {  	s24 =	sadd.s32 $0x1000, s25;
	[sflag:s20] =	ssyncadd.s32 $0xFFFFD800  }
0x48: {  	[spmem:s3] =	stream.indirect.scatter.add.f32 [tilespmem:s18], [sflag:$0x3], $0x80, s24, s17, $0xb8;
	[tilespmem:$0x1B000] =	vst v63  }
0x49: {  	_ =	swait.ge [sflag:s15], $0x2800  }
0x4a: {  	[sflag:s15] =	ssyncset.done $0x0  }
0x4b: {  	[sflag:s15] =	ssyncadd.s32 $0xFFFFD800  }
0x4c: {  	_ =	swait.ge [sflag:s21], $0x2800  }
.Ltmp0:
0x4d: {  	[sflag:s21] =	ssyncset.done $0x0;
	(pc) =	sbr.rel @p0 .LBB2_3-.Ltmp0, $4  }
0x4e: {  	s24 =	sadd.s32 $0x1080, s25;
	[sflag:s21] =	ssyncadd.s32 $0xFFFFD800  }
0x4f: {  	[spmem:s3] =	stream.indirect.scatter.add.f32 [tilespmem:s19], [sflag:$0x3], $0x80, s24, s17, $0xb8;
	[tilespmem:$0x1B000] =	vst v63  }
0x50: {  	_ =	swait.ge [sflag:s15], $0x2800  }
0x51: {  	s24 =	smov.u32 s26;
	[sflag:s15] =	ssyncset.done $0x0  }
0x52: {  	s10 =	sshra.s32 s10, $0x2;
	[sflag:s15] =	ssyncadd.s32 $0xFFFFD800  }
0x53: {  	[tilespmem:s18], [sflag:$0x1] =	stream.indirect.gather [hbm4b:s2+s17], $0x80, s10, s17, $0xb8;
	[tilespmem:$0x1B000] =	vst v63  }
0x54: {  	s24 =	sadd.s32 $0x80, s10  }
0x55: {  	[tilespmem:s19], [sflag:$0x2] =	stream.indirect.gather [hbm4b:s2+s17], $0x80, s24, s17, $0xb8;
	[tilespmem:$0x1B000] =	vst v63  }
0x56: {  	_ =	swait.ge [sflag:s20], $0x2800  }
0x57: {  	[sflag:s20] =	ssyncset.done $0x0  }
0x58: {  	s25 =	sadd.s32 $0x1000, s10;
	[sflag:s20] =	ssyncadd.s32 $0xFFFFD800  }
0x59: {  	[spmem:s3] =	stream.indirect.scatter.add.f32 [tilespmem:s18], [sflag:$0x3], $0x80, s25, s17, $0xb8;
	[tilespmem:$0x1B000] =	vst v63  }
0x5a: {  	_ =	swait.ge [sflag:s15], $0x2800  }
0x5b: {  	[sflag:s15] =	ssyncset.done $0x0  }
0x5c: {  	[sflag:s15] =	ssyncadd.s32 $0xFFFFD800  }
0x5d: {  	_ =	swait.ge [sflag:s21], $0x2800  }
0x5e: {  	[sflag:s21] =	ssyncset.done $0x0  }
0x5f: {  	s10 =	sadd.s32 $0x1080, s10;
	[sflag:s21] =	ssyncadd.s32 $0xFFFFD800  }
0x60: {  	[spmem:s3] =	stream.indirect.scatter.add.f32 [tilespmem:s19], [sflag:$0x3], $0x80, s10, s17, $0xb8;
	[tilespmem:$0x1B000] =	vst v63  }
0x61: {  	_ =	swait.ge [sflag:s15], $0x2800  }
0x62: {  	[sflag:s15] =	ssyncset.done $0x0  }
0x63: {  	s26 =	simm.s32 $0xC00;
	[sflag:s15] =	ssyncadd.s32 $0xFFFFD800  }
0x64: {  	[tilespmem:s18], [sflag:$0x1] =	stream.indirect.gather [hbm4b:s2+s17], $0x80, s26, s17, $0xb8;
	[tilespmem:$0x1B000] =	vst v63  }
0x65: {  	s4 =	sadd.s32 $0x1, s4;
	_ =	swait.ge [sflag:s20], $0x2800  }
0x66: {  	p0 =	sne.s32 s4, $0x5;
	[sflag:s20] =	ssyncset.done $0x0  }
.Ltmp1:
0x67: {  	[sflag:s20] =	ssyncadd.s32 $0xFFFFD800;
	(pc) =	sbr.rel @p0 .LBB2_2-.Ltmp1, $4  }
0x68: {  	[spmem:s3] =	stream.indirect.scatter.add.f32 [tilespmem:s18], [sflag:$0x3], $0x80, s1, s17, $0xb8;
	[tilespmem:$0x1B000] =	vst v63  }
0x69: {  	_ =	swait.ge [sflag:s15], $0x2800  }
0x6a: {  	[sflag:s15] =	ssyncset.done $0x0  }
0x6b: {  	[sflag:s15] =	ssyncadd.s32 $0xFFFFD800  }
0x6c: {  	[dreg:$0x13] =	wrdreg s0  }
0x6d: {  	[bflag:$0x0] =	sbarrier.arrive $0xFFFF  }
0x6e: {  	s10 =	rddreg [dreg:$0xd]  }
0x6f: {  	s4 =	rddreg [dreg:$0xf]  }
0x70: {  	s24 =	rddreg [dreg:$0x12]  }
0x71: {  	[hbm:s4], [sflag:s10] =	dma.local [spmem:s24], $0x2800  }
0x72: {  	_ =	swait.ge [sflag:s15], $0x2800  }
0x73: {  	[sflag:s15] =	ssyncset.done $0x0  }
0x74: {  	[sflag:s15] =	ssyncadd.s32 $0xFFFFD800  }
0x75: {  	[bflag:$0x0] =	sbarrier.arrive $0xFFFF  }
0x76: {  	s26 =	rddreg [dreg:$0xc]  }
0x77: {  	[spmem:s24], [sflag:s10] =	dma.local [hbm:s26], $0x2800  }
0x78: {  	_ =	swait.ge [sflag:s15], $0x2800  }
0x79: {  	[sflag:s15] =	ssyncset.done $0x0  }
0x7a: {  	s0 =	simm.s32 $0x0;
	s1 =	rddreg [dreg:$0xb];
	[sflag:s15] =	ssyncadd.s32 $0xFFFFD800  }
0x7b: {  	[tilespmem:s18], [sflag:$0x3] =	stream.linear.gather [hbm4b:s1+s0], $0x2800, $0x38;
	[tilespmem:$0x1B000] =	vst v63  }
0x7c: {  	_ =	swait.ge [sflag:s15], $0x2800  }
0x7d: {  	[sflag:s15] =	ssyncset.done $0x0  }
0x7e: {  	[sflag:s15] =	ssyncadd.s32 $0xFFFFD800  }
0x7f: {  	[bflag:$0x0] =	sbarrier.arrive $0xFFFF  }
0x80: {  	s10 =	rddreg [dreg:$0x4]  }
0x81: {  	s26 =	simm.s32 $0x0;
	s4 =	sadd.s32 $0x0, s10  }
0x82: {  	[tilespmem:s16], [sflag:$0x3] =	stream.linear.gather [hbm4b:s4+s26], $0xC80, $0x38;
	[tilespmem:$0x1B000] =	vst v63  }
0x83: {  	_ =	swait.ge [sflag:s15], $0xC80  }
0x84: {  	[sflag:s15] =	ssyncset.done $0x0  }
0x85: {  	[sflag:s15] =	ssyncadd.s32 $0xFFFFF380  }
0x86: {  	[spmem:s3] =	stream.indirect.scatter.add.f32 [tilespmem:s18], [sflag:$0x1], $0x80, s16, s17, $0xb8;
	[tilespmem:$0x1B000] =	vst v63  }
0x87: {  	s24 =	rddreg [dreg:$0x5]  }
0x88: {  	[spmem:s3] =	stream.indirect.scatter.add.f32 [tilespmem:s18], [sflag:$0x2], $0x80, s24, s17, $0xb8;
	[tilespmem:$0x1B000] =	vst v63  }
0x89: {  	_ =	swait.ge [sflag:s20], $0x2800  }
0x8a: {  	[sflag:s20] =	ssyncset.done $0x0  }
0x8b: {  	[sflag:s20] =	ssyncadd.s32 $0xFFFFD800  }
0x8c: {  	_ =	swait.ge [sflag:s21], $0x2800  }
0x8d: {  	[sflag:s21] =	ssyncset.done $0x0  }
0x8e: {  	s25 =	rddreg [dreg:$0x6];
	[sflag:s21] =	ssyncadd.s32 $0xFFFFD800  }
0x8f: {  	[spmem:s3] =	stream.indirect.scatter.add.f32 [tilespmem:s18], [sflag:$0x1], $0x80, s25, s17, $0xb8;
	[tilespmem:$0x1B000] =	vst v63  }
0x90: {  	s0 =	rddreg [dreg:$0x7]  }
0x91: {  	[spmem:s3] =	stream.indirect.scatter.add.f32 [tilespmem:s18], [sflag:$0x2], $0x80, s0, s17, $0xb8;
	[tilespmem:$0x1B000] =	vst v63  }
0x92: {  	_ =	swait.ge [sflag:s20], $0x2800  }
0x93: {  	[sflag:s20] =	ssyncset.done $0x0  }
0x94: {  	[sflag:s20] =	ssyncadd.s32 $0xFFFFD800  }
0x95: {  	_ =	swait.ge [sflag:s21], $0x2800  }
0x96: {  	[sflag:s21] =	ssyncset.done $0x0  }
0x97: {  	s1 =	rddreg [dreg:$0x8];
	[sflag:s21] =	ssyncadd.s32 $0xFFFFD800  }
0x98: {  	[spmem:s3] =	stream.indirect.scatter.add.f32 [tilespmem:s18], [sflag:$0x1], $0x80, s1, s17, $0xb8;
	[tilespmem:$0x1B000] =	vst v63  }
0x99: {  	s10 =	simm.s32 $0x1280  }
0x9a: {  	[spmem:s3] =	stream.indirect.scatter.add.f32 [tilespmem:s18], [sflag:$0x2], $0x80, s10, s17, $0xb8;
	[tilespmem:$0x1B000] =	vst v63  }
0x9b: {  	_ =	swait.ge [sflag:s20], $0x2800  }
0x9c: {  	[sflag:s20] =	ssyncset.done $0x0  }
0x9d: {  	[sflag:s20] =	ssyncadd.s32 $0xFFFFD800  }
0x9e: {  	_ =	swait.ge [sflag:s21], $0x2800  }
0x9f: {  	[sflag:s21] =	ssyncset.done $0x0  }
0xa0: {  	[sflag:s21] =	ssyncadd.s32 $0xFFFFD800  }
0xa1: {  	[spmem:s3] =	stream.indirect.scatter.add.f32 [tilespmem:s18], [sflag:$0x1], $0x80, s28, s17, $0xb8;
	[tilespmem:$0x1B000] =	vst v63  }
0xa2: {  	_ = 	snop  }
0xa3: {  	[spmem:s3] =	stream.indirect.scatter.add.f32 [tilespmem:s18], [sflag:$0x2], $0x80, s29, s17, $0xb8;
	[tilespmem:$0x1B000] =	vst v63  }
0xa4: {  	_ =	swait.ge [sflag:s20], $0x2800  }
0xa5: {  	[sflag:s20] =	ssyncset.done $0x0  }
0xa6: {  	[sflag:s20] =	ssyncadd.s32 $0xFFFFD800  }
0xa7: {  	_ =	swait.ge [sflag:s21], $0x2800  }
0xa8: {  	[sflag:s21] =	ssyncset.done $0x0  }
0xa9: {  	[sflag:s21] =	ssyncadd.s32 $0xFFFFD800  }
0xaa: {  	[spmem:s3] =	stream.indirect.scatter.add.f32 [tilespmem:s18], [sflag:$0x1], $0x80, s30, s17, $0xb8;
	[tilespmem:$0x1B000] =	vst v63  }
0xab: {  	_ = 	snop  }
0xac: {  	[spmem:s3] =	stream.indirect.scatter.add.f32 [tilespmem:s18], [sflag:$0x2], $0x80, s31, s17, $0xb8;
	[tilespmem:$0x1B000] =	vst v63  }
0xad: {  	_ =	swait.ge [sflag:s20], $0x2800  }
0xae: {  	[sflag:s20] =	ssyncset.done $0x0  }
0xaf: {  	[sflag:s20] =	ssyncadd.s32 $0xFFFFD800  }
0xb0: {  	_ =	swait.ge [sflag:s21], $0x2800  }
0xb1: {  	[sflag:s21] =	ssyncset.done $0x0  }
0xb2: {  	s0 =	simm.s32 $0x1500;
	[sflag:s21] =	ssyncadd.s32 $0xFFFFD800  }
0xb3: {  	[spmem:s3] =	stream.indirect.scatter.add.f32 [tilespmem:s18], [sflag:$0x1], $0x80, s0, s17, $0xb8;
	[tilespmem:$0x1B000] =	vst v63  }
0xb4: {  	s1 =	simm.s32 $0x1580  }
0xb5: {  	[spmem:s3] =	stream.indirect.scatter.add.f32 [tilespmem:s18], [sflag:$0x2], $0x80, s1, s17, $0xb8;
	[tilespmem:$0x1B000] =	vst v63  }
0xb6: {  	_ =	swait.ge [sflag:s20], $0x2800  }
0xb7: {  	[sflag:s20] =	ssyncset.done $0x0  }
0xb8: {  	[sflag:s20] =	ssyncadd.s32 $0xFFFFD800  }
0xb9: {  	_ =	swait.ge [sflag:s21], $0x2800  }
0xba: {  	[sflag:s21] =	ssyncset.done $0x0  }
0xbb: {  	[sflag:s21] =	ssyncadd.s32 $0xFFFFD800  }
0xbc: {  	[spmem:s3] =	stream.indirect.scatter.add.f32 [tilespmem:s18], [sflag:$0x1], $0x80, s7, s17, $0xb8;
	[tilespmem:$0x1B000] =	vst v63  }
0xbd: {  	_ = 	snop  }
0xbe: {  	[spmem:s3] =	stream.indirect.scatter.add.f32 [tilespmem:s18], [sflag:$0x2], $0x80, s11, s17, $0xb8;
	[tilespmem:$0x1B000] =	vst v63  }
0xbf: {  	_ =	swait.ge [sflag:s20], $0x2800  }
0xc0: {  	[sflag:s20] =	ssyncset.done $0x0  }
0xc1: {  	[sflag:s20] =	ssyncadd.s32 $0xFFFFD800  }
0xc2: {  	_ =	swait.ge [sflag:s21], $0x2800  }
0xc3: {  	[sflag:s21] =	ssyncset.done $0x0  }
0xc4: {  	[sflag:s21] =	ssyncadd.s32 $0xFFFFD800  }
0xc5: {  	[spmem:s3] =	stream.indirect.scatter.add.f32 [tilespmem:s18], [sflag:$0x1], $0x80, s12, s17, $0xb8;
	[tilespmem:$0x1B000] =	vst v63  }
0xc6: {  	_ = 	snop  }
0xc7: {  	[spmem:s3] =	stream.indirect.scatter.add.f32 [tilespmem:s18], [sflag:$0x2], $0x80, s13, s17, $0xb8;
	[tilespmem:$0x1B000] =	vst v63  }
0xc8: {  	_ =	swait.ge [sflag:s20], $0x2800  }
0xc9: {  	[sflag:s20] =	ssyncset.done $0x0  }
0xca: {  	[sflag:s20] =	ssyncadd.s32 $0xFFFFD800  }
0xcb: {  	_ =	swait.ge [sflag:s21], $0x2800  }
0xcc: {  	[sflag:s21] =	ssyncset.done $0x0  }
0xcd: {  	[sflag:s21] =	ssyncadd.s32 $0xFFFFD800  }
0xce: {  	[spmem:s3] =	stream.indirect.scatter.add.f32 [tilespmem:s18], [sflag:$0x1], $0x80, s8, s17, $0xb8;
	[tilespmem:$0x1B000] =	vst v63  }
0xcf: {  	_ = 	snop  }
0xd0: {  	[spmem:s3] =	stream.indirect.scatter.add.f32 [tilespmem:s18], [sflag:$0x2], $0x80, s9, s17, $0xb8;
	[tilespmem:$0x1B000] =	vst v63  }
0xd1: {  	_ =	swait.ge [sflag:s20], $0x2800  }
0xd2: {  	[sflag:s20] =	ssyncset.done $0x0  }
0xd3: {  	[sflag:s20] =	ssyncadd.s32 $0xFFFFD800  }
0xd4: {  	_ =	swait.ge [sflag:s21], $0x2800  }
0xd5: {  	[sflag:s21] =	ssyncset.done $0x0  }
0xd6: {  	[sflag:s21] =	ssyncadd.s32 $0xFFFFD800  }
0xd7: {  	[spmem:s3] =	stream.indirect.scatter.add.f32 [tilespmem:s18], [sflag:$0x1], $0x80, s14, s17, $0xb8;
	[tilespmem:$0x1B000] =	vst v63  }
0xd8: {  	_ = 	snop  }
0xd9: {  	[spmem:s3] =	stream.indirect.scatter.add.f32 [tilespmem:s18], [sflag:$0x2], $0x80, s22, s17, $0xb8;
	[tilespmem:$0x1B000] =	vst v63  }
0xda: {  	_ =	swait.ge [sflag:s20], $0x2800  }
0xdb: {  	[sflag:s20] =	ssyncset.done $0x0  }
0xdc: {  	[sflag:s20] =	ssyncadd.s32 $0xFFFFD800  }
0xdd: {  	_ =	swait.ge [sflag:s21], $0x2800  }
0xde: {  	[sflag:s21] =	ssyncset.done $0x0  }
0xdf: {  	[sflag:s21] =	ssyncadd.s32 $0xFFFFD800  }
0xe0: {  	[spmem:s3] =	stream.indirect.scatter.add.f32 [tilespmem:s18], [sflag:$0x1], $0x80, s23, s17, $0xb8;
	[tilespmem:$0x1B000] =	vst v63  }
0xe1: {  	_ = 	snop  }
0xe2: {  	[spmem:s3] =	stream.indirect.scatter.add.f32 [tilespmem:s18], [sflag:$0x2], $0x80, s6, s17, $0xb8;
	[tilespmem:$0x1B000] =	vst v63  }
0xe3: {  	_ =	swait.ge [sflag:s20], $0x2800  }
0xe4: {  	[sflag:s20] =	ssyncset.done $0x0  }
0xe5: {  	[sflag:s20] =	ssyncadd.s32 $0xFFFFD800  }
0xe6: {  	_ =	swait.ge [sflag:s21], $0x2800  }
0xe7: {  	[sflag:s21] =	ssyncset.done $0x0  }
0xe8: {  	[sflag:s21] =	ssyncadd.s32 $0xFFFFD800  }
0xe9: {  	[spmem:s3] =	stream.indirect.scatter.add.f32 [tilespmem:s18], [sflag:$0x1], $0x80, s5, s17, $0xb8;
	[tilespmem:$0x1B000] =	vst v63  }
0xea: {  	s25 =	simm.s32 $0x1B80  }
0xeb: {  	[spmem:s3] =	stream.indirect.scatter.add.f32 [tilespmem:s18], [sflag:$0x2], $0x80, s25, s17, $0xb8;
	[tilespmem:$0x1B000] =	vst v63  }
0xec: {  	_ =	swait.ge [sflag:s20], $0x2800  }
0xed: {  	[sflag:s20] =	ssyncset.done $0x0  }
0xee: {  	[sflag:s20] =	ssyncadd.s32 $0xFFFFD800  }
0xef: {  	_ =	swait.ge [sflag:s21], $0x2800  }
0xf0: {  	[sflag:s21] =	ssyncset.done $0x0  }
0xf1: {  	s24 =	simm.s32 $0x1C00;
	[sflag:s21] =	ssyncadd.s32 $0xFFFFD800  }
0xf2: {  	[spmem:s3] =	stream.indirect.scatter.add.f32 [tilespmem:s18], [sflag:$0x3], $0x80, s24, s17, $0xb8;
	[tilespmem:$0x1B000] =	vst v63  }
0xf3: {  	s4 =	simm.s32 $0x400;
	_ =	swait.ge [sflag:s15], $0x2800  }
0xf4: {  	s10 =	simm.s32 $0x200;
	s24 =	rddreg [dreg:$0x4];
	[sflag:s15] =	ssyncset.done $0x0  }
.LBB2_6:
0xf5: {  	[sflag:s15] =	ssyncadd.s32 $0xFFFFD800;
	s24 =	sadd.s32 s10, s24  }
0xf6: {  	[tilespmem:s16], [sflag:$0x3] =	stream.linear.gather [hbm4b:s24+s26], $0xC80, $0x38;
	[tilespmem:$0x1B000] =	vst v63  }
0xf7: {  	_ =	swait.ge [sflag:s15], $0xC80  }
0xf8: {  	[sflag:s15] =	ssyncset.done $0x0  }
0xf9: {  	s25 =	smov.u32 s4;
	[sflag:s15] =	ssyncadd.s32 $0xFFFFF380  }
0xfa: {  	[spmem:s3] =	stream.indirect.scatter.add.f32 [tilespmem:s18], [sflag:$0x1], $0x80, s16, s17, $0xb8;
	[tilespmem:$0x1B000] =	vst v63  }
0xfb: {  	s10 =	smov.u32 s25;
	s25 =	rddreg [dreg:$0x5]  }
0xfc: {  	[spmem:s3] =	stream.indirect.scatter.add.f32 [tilespmem:s18], [sflag:$0x2], $0x80, s25, s17, $0xb8;
	[tilespmem:$0x1B000] =	vst v63  }
0xfd: {  	_ =	swait.ge [sflag:s20], $0x2800  }
0xfe: {  	[sflag:s20] =	ssyncset.done $0x0  }
0xff: {  	[sflag:s20] =	ssyncadd.s32 $0xFFFFD800  }
0x100: {  	_ =	swait.ge [sflag:s21], $0x2800  }
0x101: {  	[sflag:s21] =	ssyncset.done $0x0  }
0x102: {  	s24 =	rddreg [dreg:$0x6];
	[sflag:s21] =	ssyncadd.s32 $0xFFFFD800  }
0x103: {  	[spmem:s3] =	stream.indirect.scatter.add.f32 [tilespmem:s18], [sflag:$0x1], $0x80, s24, s17, $0xb8;
	[tilespmem:$0x1B000] =	vst v63  }
0x104: {  	s25 =	rddreg [dreg:$0x7]  }
0x105: {  	[spmem:s3] =	stream.indirect.scatter.add.f32 [tilespmem:s18], [sflag:$0x2], $0x80, s25, s17, $0xb8;
	[tilespmem:$0x1B000] =	vst v63  }
0x106: {  	_ =	swait.ge [sflag:s20], $0x2800  }
0x107: {  	[sflag:s20] =	ssyncset.done $0x0  }
0x108: {  	[sflag:s20] =	ssyncadd.s32 $0xFFFFD800  }
0x109: {  	_ =	swait.ge [sflag:s21], $0x2800  }
0x10a: {  	[sflag:s21] =	ssyncset.done $0x0  }
0x10b: {  	s24 =	rddreg [dreg:$0x8];
	[sflag:s21] =	ssyncadd.s32 $0xFFFFD800  }
0x10c: {  	[spmem:s3] =	stream.indirect.scatter.add.f32 [tilespmem:s18], [sflag:$0x1], $0x80, s24, s17, $0xb8;
	[tilespmem:$0x1B000] =	vst v63  }
0x10d: {  	s25 =	simm.s32 $0x1280  }
0x10e: {  	[spmem:s3] =	stream.indirect.scatter.add.f32 [tilespmem:s18], [sflag:$0x2], $0x80, s25, s17, $0xb8;
	[tilespmem:$0x1B000] =	vst v63  }
0x10f: {  	_ =	swait.ge [sflag:s20], $0x2800  }
0x110: {  	[sflag:s20] =	ssyncset.done $0x0  }
0x111: {  	[sflag:s20] =	ssyncadd.s32 $0xFFFFD800  }
0x112: {  	_ =	swait.ge [sflag:s21], $0x2800  }
0x113: {  	[sflag:s21] =	ssyncset.done $0x0  }
0x114: {  	[sflag:s21] =	ssyncadd.s32 $0xFFFFD800  }
0x115: {  	[spmem:s3] =	stream.indirect.scatter.add.f32 [tilespmem:s18], [sflag:$0x1], $0x80, s28, s17, $0xb8;
	[tilespmem:$0x1B000] =	vst v63  }
0x116: {  	_ = 	snop  }
0x117: {  	[spmem:s3] =	stream.indirect.scatter.add.f32 [tilespmem:s18], [sflag:$0x2], $0x80, s29, s17, $0xb8;
	[tilespmem:$0x1B000] =	vst v63  }
0x118: {  	_ =	swait.ge [sflag:s20], $0x2800  }
0x119: {  	[sflag:s20] =	ssyncset.done $0x0  }
0x11a: {  	[sflag:s20] =	ssyncadd.s32 $0xFFFFD800  }
0x11b: {  	_ =	swait.ge [sflag:s21], $0x2800  }
0x11c: {  	[sflag:s21] =	ssyncset.done $0x0  }
0x11d: {  	[sflag:s21] =	ssyncadd.s32 $0xFFFFD800  }
0x11e: {  	[spmem:s3] =	stream.indirect.scatter.add.f32 [tilespmem:s18], [sflag:$0x1], $0x80, s30, s17, $0xb8;
	[tilespmem:$0x1B000] =	vst v63  }
0x11f: {  	_ = 	snop  }
0x120: {  	[spmem:s3] =	stream.indirect.scatter.add.f32 [tilespmem:s18], [sflag:$0x2], $0x80, s31, s17, $0xb8;
	[tilespmem:$0x1B000] =	vst v63  }
0x121: {  	_ =	swait.ge [sflag:s20], $0x2800  }
0x122: {  	[sflag:s20] =	ssyncset.done $0x0  }
0x123: {  	[sflag:s20] =	ssyncadd.s32 $0xFFFFD800  }
0x124: {  	_ =	swait.ge [sflag:s21], $0x2800  }
0x125: {  	[sflag:s21] =	ssyncset.done $0x0  }
0x126: {  	[sflag:s21] =	ssyncadd.s32 $0xFFFFD800  }
0x127: {  	[spmem:s3] =	stream.indirect.scatter.add.f32 [tilespmem:s18], [sflag:$0x1], $0x80, s0, s17, $0xb8;
	[tilespmem:$0x1B000] =	vst v63  }
0x128: {  	_ = 	snop  }
0x129: {  	[spmem:s3] =	stream.indirect.scatter.add.f32 [tilespmem:s18], [sflag:$0x2], $0x80, s1, s17, $0xb8;
	[tilespmem:$0x1B000] =	vst v63  }
0x12a: {  	_ =	swait.ge [sflag:s20], $0x2800  }
0x12b: {  	[sflag:s20] =	ssyncset.done $0x0  }
0x12c: {  	[sflag:s20] =	ssyncadd.s32 $0xFFFFD800  }
0x12d: {  	_ =	swait.ge [sflag:s21], $0x2800  }
0x12e: {  	[sflag:s21] =	ssyncset.done $0x0  }
0x12f: {  	[sflag:s21] =	ssyncadd.s32 $0xFFFFD800  }
0x130: {  	[spmem:s3] =	stream.indirect.scatter.add.f32 [tilespmem:s18], [sflag:$0x1], $0x80, s7, s17, $0xb8;
	[tilespmem:$0x1B000] =	vst v63  }
0x131: {  	_ = 	snop  }
0x132: {  	[spmem:s3] =	stream.indirect.scatter.add.f32 [tilespmem:s18], [sflag:$0x2], $0x80, s11, s17, $0xb8;
	[tilespmem:$0x1B000] =	vst v63  }
0x133: {  	_ =	swait.ge [sflag:s20], $0x2800  }
0x134: {  	[sflag:s20] =	ssyncset.done $0x0  }
0x135: {  	[sflag:s20] =	ssyncadd.s32 $0xFFFFD800  }
0x136: {  	_ =	swait.ge [sflag:s21], $0x2800  }
0x137: {  	[sflag:s21] =	ssyncset.done $0x0  }
0x138: {  	[sflag:s21] =	ssyncadd.s32 $0xFFFFD800  }
0x139: {  	[spmem:s3] =	stream.indirect.scatter.add.f32 [tilespmem:s18], [sflag:$0x1], $0x80, s12, s17, $0xb8;
	[tilespmem:$0x1B000] =	vst v63  }
0x13a: {  	_ = 	snop  }
0x13b: {  	[spmem:s3] =	stream.indirect.scatter.add.f32 [tilespmem:s18], [sflag:$0x2], $0x80, s13, s17, $0xb8;
	[tilespmem:$0x1B000] =	vst v63  }
0x13c: {  	_ =	swait.ge [sflag:s20], $0x2800  }
0x13d: {  	[sflag:s20] =	ssyncset.done $0x0  }
0x13e: {  	[sflag:s20] =	ssyncadd.s32 $0xFFFFD800  }
0x13f: {  	_ =	swait.ge [sflag:s21], $0x2800  }
0x140: {  	[sflag:s21] =	ssyncset.done $0x0  }
0x141: {  	[sflag:s21] =	ssyncadd.s32 $0xFFFFD800  }
0x142: {  	[spmem:s3] =	stream.indirect.scatter.add.f32 [tilespmem:s18], [sflag:$0x1], $0x80, s8, s17, $0xb8;
	[tilespmem:$0x1B000] =	vst v63  }
0x143: {  	_ = 	snop  }
0x144: {  	[spmem:s3] =	stream.indirect.scatter.add.f32 [tilespmem:s18], [sflag:$0x2], $0x80, s9, s17, $0xb8;
	[tilespmem:$0x1B000] =	vst v63  }
0x145: {  	_ =	swait.ge [sflag:s20], $0x2800  }
0x146: {  	[sflag:s20] =	ssyncset.done $0x0  }
0x147: {  	[sflag:s20] =	ssyncadd.s32 $0xFFFFD800  }
0x148: {  	_ =	swait.ge [sflag:s21], $0x2800  }
0x149: {  	[sflag:s21] =	ssyncset.done $0x0  }
0x14a: {  	[sflag:s21] =	ssyncadd.s32 $0xFFFFD800  }
0x14b: {  	[spmem:s3] =	stream.indirect.scatter.add.f32 [tilespmem:s18], [sflag:$0x1], $0x80, s14, s17, $0xb8;
	[tilespmem:$0x1B000] =	vst v63  }
0x14c: {  	_ = 	snop  }
0x14d: {  	[spmem:s3] =	stream.indirect.scatter.add.f32 [tilespmem:s18], [sflag:$0x2], $0x80, s22, s17, $0xb8;
	[tilespmem:$0x1B000] =	vst v63  }
0x14e: {  	_ =	swait.ge [sflag:s20], $0x2800  }
0x14f: {  	[sflag:s20] =	ssyncset.done $0x0  }
0x150: {  	[sflag:s20] =	ssyncadd.s32 $0xFFFFD800  }
0x151: {  	_ =	swait.ge [sflag:s21], $0x2800  }
0x152: {  	[sflag:s21] =	ssyncset.done $0x0  }
0x153: {  	[sflag:s21] =	ssyncadd.s32 $0xFFFFD800  }
0x154: {  	[spmem:s3] =	stream.indirect.scatter.add.f32 [tilespmem:s18], [sflag:$0x1], $0x80, s23, s17, $0xb8;
	[tilespmem:$0x1B000] =	vst v63  }
0x155: {  	_ = 	snop  }
0x156: {  	[spmem:s3] =	stream.indirect.scatter.add.f32 [tilespmem:s18], [sflag:$0x2], $0x80, s6, s17, $0xb8;
	[tilespmem:$0x1B000] =	vst v63  }
0x157: {  	_ =	swait.ge [sflag:s20], $0x2800  }
0x158: {  	[sflag:s20] =	ssyncset.done $0x0  }
0x159: {  	[sflag:s20] =	ssyncadd.s32 $0xFFFFD800  }
0x15a: {  	_ =	swait.ge [sflag:s21], $0x2800  }
0x15b: {  	[sflag:s21] =	ssyncset.done $0x0  }
0x15c: {  	[sflag:s21] =	ssyncadd.s32 $0xFFFFD800  }
0x15d: {  	[spmem:s3] =	stream.indirect.scatter.add.f32 [tilespmem:s18], [sflag:$0x1], $0x80, s5, s17, $0xb8;
	[tilespmem:$0x1B000] =	vst v63  }
0x15e: {  	s24 =	simm.s32 $0x1B80  }
0x15f: {  	[spmem:s3] =	stream.indirect.scatter.add.f32 [tilespmem:s18], [sflag:$0x2], $0x80, s24, s17, $0xb8;
	[tilespmem:$0x1B000] =	vst v63  }
0x160: {  	_ =	swait.ge [sflag:s20], $0x2800  }
0x161: {  	[sflag:s20] =	ssyncset.done $0x0  }
0x162: {  	[sflag:s20] =	ssyncadd.s32 $0xFFFFD800  }
0x163: {  	p0 =	sne.s32 s4, $0x800;
	_ =	swait.ge [sflag:s21], $0x2800  }
.Ltmp2:
0x164: {  	[sflag:s21] =	ssyncset.done $0x0;
	(pc) =	sbr.rel @p0 .LBB2_6-.Ltmp2, $4  }
0x165: {  	s24 =	simm.s32 $0x1C00;
	[sflag:s21] =	ssyncadd.s32 $0xFFFFD800  }
0x166: {  	[spmem:s3] =	stream.indirect.scatter.add.f32 [tilespmem:s18], [sflag:$0x3], $0x80, s24, s17, $0xb8;
	[tilespmem:$0x1B000] =	vst v63  }
0x167: {  	_ =	swait.ge [sflag:s15], $0x2800  }
0x168: {  	s4 =	sadd.s32 $0x200, s4;
	s24 =	rddreg [dreg:$0x4];
	[sflag:s15] =	ssyncset.done $0x0  }
0x169: {  	[sflag:s15] =	ssyncadd.s32 $0xFFFFD800;
	s4 =	sadd.s32 s10, s24  }
0x16a: {  	[tilespmem:s16], [sflag:$0x3] =	stream.linear.gather [hbm4b:s4+s26], $0xC80, $0x38;
	[tilespmem:$0x1B000] =	vst v63  }
0x16b: {  	_ =	swait.ge [sflag:s15], $0xC80  }
0x16c: {  	[sflag:s15] =	ssyncset.done $0x0  }
0x16d: {  	[sflag:s15] =	ssyncadd.s32 $0xFFFFF380  }
0x16e: {  	[spmem:s3] =	stream.indirect.scatter.add.f32 [tilespmem:s18], [sflag:$0x1], $0x80, s16, s17, $0xb8;
	[tilespmem:$0x1B000] =	vst v63  }
0x16f: {  	s10 =	rddreg [dreg:$0x5]  }
0x170: {  	[spmem:s3] =	stream.indirect.scatter.add.f32 [tilespmem:s18], [sflag:$0x2], $0x80, s10, s17, $0xb8;
	[tilespmem:$0x1B000] =	vst v63  }
0x171: {  	_ =	swait.ge [sflag:s20], $0x2800  }
0x172: {  	[sflag:s20] =	ssyncset.done $0x0  }
0x173: {  	[sflag:s20] =	ssyncadd.s32 $0xFFFFD800  }
0x174: {  	_ =	swait.ge [sflag:s21], $0x2800  }
0x175: {  	[sflag:s21] =	ssyncset.done $0x0  }
0x176: {  	s24 =	rddreg [dreg:$0x6];
	[sflag:s21] =	ssyncadd.s32 $0xFFFFD800  }
0x177: {  	[spmem:s3] =	stream.indirect.scatter.add.f32 [tilespmem:s18], [sflag:$0x1], $0x80, s24, s17, $0xb8;
	[tilespmem:$0x1B000] =	vst v63  }
0x178: {  	s26 =	rddreg [dreg:$0x7]  }
0x179: {  	[spmem:s3] =	stream.indirect.scatter.add.f32 [tilespmem:s18], [sflag:$0x2], $0x80, s26, s17, $0xb8;
	[tilespmem:$0x1B000] =	vst v63  }
0x17a: {  	_ =	swait.ge [sflag:s20], $0x2800  }
0x17b: {  	[sflag:s20] =	ssyncset.done $0x0  }
0x17c: {  	[sflag:s20] =	ssyncadd.s32 $0xFFFFD800  }
0x17d: {  	_ =	swait.ge [sflag:s21], $0x2800  }
0x17e: {  	[sflag:s21] =	ssyncset.done $0x0  }
0x17f: {  	s24 =	rddreg [dreg:$0x8];
	[sflag:s21] =	ssyncadd.s32 $0xFFFFD800  }
0x180: {  	[spmem:s3] =	stream.indirect.scatter.add.f32 [tilespmem:s18], [sflag:$0x1], $0x80, s24, s17, $0xb8;
	[tilespmem:$0x1B000] =	vst v63  }
0x181: {  	_ = 	snop  }
0x182: {  	[spmem:s3] =	stream.indirect.scatter.add.f32 [tilespmem:s18], [sflag:$0x2], $0x80, s25, s17, $0xb8;
	[tilespmem:$0x1B000] =	vst v63  }
0x183: {  	_ =	swait.ge [sflag:s20], $0x2800  }
0x184: {  	[sflag:s20] =	ssyncset.done $0x0  }
0x185: {  	[sflag:s20] =	ssyncadd.s32 $0xFFFFD800  }
0x186: {  	_ =	swait.ge [sflag:s21], $0x2800  }
0x187: {  	[sflag:s21] =	ssyncset.done $0x0  }
0x188: {  	[sflag:s21] =	ssyncadd.s32 $0xFFFFD800  }
0x189: {  	[spmem:s3] =	stream.indirect.scatter.add.f32 [tilespmem:s18], [sflag:$0x1], $0x80, s28, s17, $0xb8;
	[tilespmem:$0x1B000] =	vst v63  }
0x18a: {  	_ = 	snop  }
0x18b: {  	[spmem:s3] =	stream.indirect.scatter.add.f32 [tilespmem:s18], [sflag:$0x2], $0x80, s29, s17, $0xb8;
	[tilespmem:$0x1B000] =	vst v63  }
0x18c: {  	_ =	swait.ge [sflag:s20], $0x2800  }
0x18d: {  	[sflag:s20] =	ssyncset.done $0x0  }
0x18e: {  	[sflag:s20] =	ssyncadd.s32 $0xFFFFD800  }
0x18f: {  	_ =	swait.ge [sflag:s21], $0x2800  }
0x190: {  	[sflag:s21] =	ssyncset.done $0x0  }
0x191: {  	[sflag:s21] =	ssyncadd.s32 $0xFFFFD800  }
0x192: {  	[spmem:s3] =	stream.indirect.scatter.add.f32 [tilespmem:s18], [sflag:$0x1], $0x80, s30, s17, $0xb8;
	[tilespmem:$0x1B000] =	vst v63  }
0x193: {  	_ = 	snop  }
0x194: {  	[spmem:s3] =	stream.indirect.scatter.add.f32 [tilespmem:s18], [sflag:$0x2], $0x80, s31, s17, $0xb8;
	[tilespmem:$0x1B000] =	vst v63  }
0x195: {  	_ =	swait.ge [sflag:s20], $0x2800  }
0x196: {  	[sflag:s20] =	ssyncset.done $0x0  }
0x197: {  	[sflag:s20] =	ssyncadd.s32 $0xFFFFD800  }
0x198: {  	_ =	swait.ge [sflag:s21], $0x2800  }
0x199: {  	[sflag:s21] =	ssyncset.done $0x0  }
0x19a: {  	[sflag:s21] =	ssyncadd.s32 $0xFFFFD800  }
0x19b: {  	[spmem:s3] =	stream.indirect.scatter.add.f32 [tilespmem:s18], [sflag:$0x1], $0x80, s0, s17, $0xb8;
	[tilespmem:$0x1B000] =	vst v63  }
0x19c: {  	_ = 	snop  }
0x19d: {  	[spmem:s3] =	stream.indirect.scatter.add.f32 [tilespmem:s18], [sflag:$0x2], $0x80, s1, s17, $0xb8;
	[tilespmem:$0x1B000] =	vst v63  }
0x19e: {  	_ =	swait.ge [sflag:s20], $0x2800  }
0x19f: {  	[sflag:s20] =	ssyncset.done $0x0  }
0x1a0: {  	[sflag:s20] =	ssyncadd.s32 $0xFFFFD800  }
0x1a1: {  	_ =	swait.ge [sflag:s21], $0x2800  }
0x1a2: {  	[sflag:s21] =	ssyncset.done $0x0  }
0x1a3: {  	[sflag:s21] =	ssyncadd.s32 $0xFFFFD800  }
0x1a4: {  	[spmem:s3] =	stream.indirect.scatter.add.f32 [tilespmem:s18], [sflag:$0x1], $0x80, s7, s17, $0xb8;
	[tilespmem:$0x1B000] =	vst v63  }
0x1a5: {  	_ = 	snop  }
0x1a6: {  	[spmem:s3] =	stream.indirect.scatter.add.f32 [tilespmem:s18], [sflag:$0x2], $0x80, s11, s17, $0xb8;
	[tilespmem:$0x1B000] =	vst v63  }
0x1a7: {  	_ =	swait.ge [sflag:s20], $0x2800  }
0x1a8: {  	[sflag:s20] =	ssyncset.done $0x0  }
0x1a9: {  	[sflag:s20] =	ssyncadd.s32 $0xFFFFD800  }
0x1aa: {  	_ =	swait.ge [sflag:s21], $0x2800  }
0x1ab: {  	[sflag:s21] =	ssyncset.done $0x0  }
0x1ac: {  	[sflag:s21] =	ssyncadd.s32 $0xFFFFD800  }
0x1ad: {  	[spmem:s3] =	stream.indirect.scatter.add.f32 [tilespmem:s18], [sflag:$0x1], $0x80, s12, s17, $0xb8;
	[tilespmem:$0x1B000] =	vst v63  }
0x1ae: {  	_ = 	snop  }
0x1af: {  	[spmem:s3] =	stream.indirect.scatter.add.f32 [tilespmem:s18], [sflag:$0x2], $0x80, s13, s17, $0xb8;
	[tilespmem:$0x1B000] =	vst v63  }
0x1b0: {  	_ =	swait.ge [sflag:s20], $0x2800  }
0x1b1: {  	[sflag:s20] =	ssyncset.done $0x0  }
0x1b2: {  	[sflag:s20] =	ssyncadd.s32 $0xFFFFD800  }
0x1b3: {  	_ =	swait.ge [sflag:s21], $0x2800  }
0x1b4: {  	[sflag:s21] =	ssyncset.done $0x0  }
0x1b5: {  	[sflag:s21] =	ssyncadd.s32 $0xFFFFD800  }
0x1b6: {  	[spmem:s3] =	stream.indirect.scatter.add.f32 [tilespmem:s18], [sflag:$0x1], $0x80, s8, s17, $0xb8;
	[tilespmem:$0x1B000] =	vst v63  }
0x1b7: {  	_ = 	snop  }
0x1b8: {  	[spmem:s3] =	stream.indirect.scatter.add.f32 [tilespmem:s18], [sflag:$0x2], $0x80, s9, s17, $0xb8;
	[tilespmem:$0x1B000] =	vst v63  }
0x1b9: {  	_ =	swait.ge [sflag:s20], $0x2800  }
0x1ba: {  	[sflag:s20] =	ssyncset.done $0x0  }
0x1bb: {  	[sflag:s20] =	ssyncadd.s32 $0xFFFFD800  }
0x1bc: {  	_ =	swait.ge [sflag:s21], $0x2800  }
0x1bd: {  	[sflag:s21] =	ssyncset.done $0x0  }
0x1be: {  	[sflag:s21] =	ssyncadd.s32 $0xFFFFD800  }
0x1bf: {  	[spmem:s3] =	stream.indirect.scatter.add.f32 [tilespmem:s18], [sflag:$0x1], $0x80, s14, s17, $0xb8;
	[tilespmem:$0x1B000] =	vst v63  }
0x1c0: {  	_ = 	snop  }
0x1c1: {  	[spmem:s3] =	stream.indirect.scatter.add.f32 [tilespmem:s18], [sflag:$0x2], $0x80, s22, s17, $0xb8;
	[tilespmem:$0x1B000] =	vst v63  }
0x1c2: {  	_ =	swait.ge [sflag:s20], $0x2800  }
0x1c3: {  	[sflag:s20] =	ssyncset.done $0x0  }
0x1c4: {  	[sflag:s20] =	ssyncadd.s32 $0xFFFFD800  }
0x1c5: {  	_ =	swait.ge [sflag:s21], $0x2800  }
0x1c6: {  	[sflag:s21] =	ssyncset.done $0x0  }
0x1c7: {  	[sflag:s21] =	ssyncadd.s32 $0xFFFFD800  }
0x1c8: {  	[spmem:s3] =	stream.indirect.scatter.add.f32 [tilespmem:s18], [sflag:$0x1], $0x80, s23, s17, $0xb8;
	[tilespmem:$0x1B000] =	vst v63  }
0x1c9: {  	_ = 	snop  }
0x1ca: {  	[spmem:s3] =	stream.indirect.scatter.add.f32 [tilespmem:s18], [sflag:$0x2], $0x80, s6, s17, $0xb8;
	[tilespmem:$0x1B000] =	vst v63  }
0x1cb: {  	_ =	swait.ge [sflag:s20], $0x2800  }
0x1cc: {  	[sflag:s20] =	ssyncset.done $0x0  }
0x1cd: {  	[sflag:s20] =	ssyncadd.s32 $0xFFFFD800  }
0x1ce: {  	_ =	swait.ge [sflag:s21], $0x2800  }
0x1cf: {  	[sflag:s21] =	ssyncset.done $0x0  }
0x1d0: {  	[sflag:s21] =	ssyncadd.s32 $0xFFFFD800  }
0x1d1: {  	[spmem:s3] =	stream.indirect.scatter.add.f32 [tilespmem:s18], [sflag:$0x1], $0x80, s5, s17, $0xb8;
	[tilespmem:$0x1B000] =	vst v63  }
0x1d2: {  	s25 =	simm.s32 $0x1B80  }
0x1d3: {  	[spmem:s3] =	stream.indirect.scatter.add.f32 [tilespmem:s18], [sflag:$0x2], $0x80, s25, s17, $0xb8;
	[tilespmem:$0x1B000] =	vst v63  }
0x1d4: {  	_ =	swait.ge [sflag:s20], $0x2800  }
0x1d5: {  	[sflag:s20] =	ssyncset.done $0x0  }
0x1d6: {  	[sflag:s20] =	ssyncadd.s32 $0xFFFFD800  }
0x1d7: {  	_ =	swait.ge [sflag:s21], $0x2800  }
0x1d8: {  	[sflag:s21] =	ssyncset.done $0x0  }
0x1d9: {  	s26 =	simm.s32 $0x1C00;
	[sflag:s21] =	ssyncadd.s32 $0xFFFFD800  }
0x1da: {  	[spmem:s3] =	stream.indirect.scatter.add.f32 [tilespmem:s18], [sflag:$0x3], $0x80, s26, s17, $0xb8;
	[tilespmem:$0x1B000] =	vst v63  }
0x1db: {  	_ =	swait.ge [sflag:s15], $0x2800  }
0x1dc: {  	[sflag:s15] =	ssyncset.done $0x0  }
0x1dd: {  	[sflag:s15] =	ssyncadd.s32 $0xFFFFD800  }
0x1de: {  	[bflag:$0x0] =	sbarrier.arrive $0xFFFF  }
0x1df: {  	s24 =	rddreg [dreg:$0xd]  }
0x1e0: {  	s1 =	rddreg [dreg:$0x10]  }
0x1e1: {  	s10 =	rddreg [dreg:$0x12]  }
0x1e2: {  	[hbm:s1], [sflag:s24] =	dma.local [spmem:s10], $0x2800  }
0x1e3: {  	_ =	swait.ge [sflag:s15], $0x2800  }
0x1e4: {  	s25 =	rddreg [dreg:$0x13]  }
0x1e5: {  	s26 =	rddreg [dreg:$0x11];
	s0 =	sadd.s32 $0x1, s25  }
0x1e6: {  	p0 =	sne.s32 s0, s26  }
.Ltmp3:
0x1e7: {  	_ = 	snop;
	(pc) =	sbr.rel @p0 .LBB2_1-.Ltmp3, $3  }
0x1e8: {  	_ =	sdelay $0x1  }
0x1e9: {  	[sflag:s15] =	ssyncset.done $0x0  }
0x1ea: {  	s1 =	simm.s32 $0x1C00;
	[sflag:s15] =	ssyncadd.s32 $0xFFFFD800  }
0x1eb: {  	_ =	sfence.sel $0x180000  }
0x1ec: {  	[bflag:$0x0] =	sbarrier.arrive $0xFFFF  }
0x1ed: {  	_ =	strace $0x90000047  }
0x1ee: {  	s0 =	stileid.u32;
	[bflag:$0x2] =	sbarrier.arrive $0xFFFF  }
0x1ef: {  	p0 =	sne.s32 s0, $0x0;
	s0 =	rddreg [dreg:$0x3]  }
0x1f0: {  	s0 =	sadd.s32 @!p0 $0x100000, s0  }
0x1f1: {  	[sflag:s0] =	ssyncadd.tile.s32 @!p0 $0x1;
	_ =	shalt  }
.Lfunc_end2:
_tile_overlayer_lowered:
.L_overlay_start_2:
0x1f2: {  	(tag) =	ssettag $0x2  }
0x1f3: {  	s0 =	rddreg [dreg:$0x0];
	s2 =	stileid.u32  }
0x1f4: {  	s1 =	rddreg [dreg:$0x1];
	p0 =	sne.s32 s2, $0x0  }
0x1f5: {  	s3 =	rddreg [dreg:$0x2];
	[bflag:$0x3] =	sbarrier.arrive $0xFFFF;
	s2 =	simm.s32 @!p0 $0x1C03  }
0x1f6: {  	[timem:s3], [sflag:s2] =	dma.local @!p0 [hbm:s0], s1  }
0x1f7: {  	s0 =	simm.s32 @!p0 $0x3  }
0x1f8: {  	_ =	swait.ge @!p0 [sflag:s0], s1  }
0x1f9: {  	s1 =	ssub.s32 @!p0 $0x0, s1;
	[sflag:s0] =	ssyncset.done @!p0 $0x0  }
0x1fa: {  	[sflag:s0] =	ssyncadd.s32 @!p0 s1  }
0x1fb: {  	[bflag:$0x3] =	sbarrier.arrive $0xFFFF  }
0x1fc: {  	_ =	shalt  }

</sc_bundles>
